<compile_context>
chip_gen: v7x
topology: tpu7x:2x2x1
jax: 0.10.2.dev20260603
libtpu: 0.0.44.dev20260713+nightly
codegen_flags: <defaults>
</compile_context>

<pallas_src>
import functools

import jax
import jax.numpy as jnp
from jax import lax
from jax.experimental import pallas as pl
from jax.experimental.pallas import tpu as pltpu
from jax.experimental.pallas import tpu_sc as plsc

N_CORES = 2
N_SUBCORES = 16
N_WORKERS = N_CORES * N_SUBCORES
WINDOW = 800
GRID = 4


def _sc_segment_sum16(table, edges, zeros):
  npad, f = table.shape
  ne = edges.shape[1]
  ept = ne // N_WORKERS
  nwin = ept // WINDOW
  npairs = nwin // 2
  rpt = npad // N_SUBCORES

  mesh = plsc.VectorSubcoreMesh(core_axis_name="c", subcore_axis_name="s")

  @functools.partial(
      pl.kernel,
      mesh=mesh,
      out_type=jax.ShapeDtypeStruct((N_CORES, npad, f), jnp.float32),
      scratch_types=[
          pltpu.VMEM_SHARED((npad, f), jnp.float32),
          pltpu.VMEM((3, 2, WINDOW), jnp.int32),
          pltpu.VMEM((WINDOW, f), jnp.float32),
          pltpu.VMEM((WINDOW, f), jnp.float32),
          pltpu.SemaphoreType.DMA((3,)),
          pltpu.SemaphoreType.DMA,
          pltpu.SemaphoreType.DMA,
      ],
      compiler_params=pltpu.CompilerParams(use_tc_tiling_on_sc=False),
  )
  def seg(table_hbm, edge_hbm, z_hbm, out_hbm, agg_sh,
          idx3, r0v, r1v, sem3, semg0, semg1):
    c = lax.axis_index("c")
    s = lax.axis_index("s")
    row0 = s * rpt
    pltpu.sync_copy(z_hbm.at[pl.ds(row0, rpt)], agg_sh.at[pl.ds(row0, rpt)])
    plsc.subcore_barrier()

    ebase = (c * N_SUBCORES + s) * ept
    rows = [(r0v, semg0), (r1v, semg1)]

    def load_idx(w):
      m = lax.rem(w, 3) if not isinstance(w, int) else w % 3
      pltpu.async_copy(edge_hbm.at[0, pl.ds(ebase + w * WINDOW, WINDOW)],
                       idx3.at[m, 0], sem3.at[m])
      pltpu.async_copy(edge_hbm.at[1, pl.ds(ebase + w * WINDOW, WINDOW)],
                       idx3.at[m, 1], sem3.at[m])

    def wait_idx(w):
      m = lax.rem(w, 3) if not isinstance(w, int) else w % 3
      pltpu.make_async_copy(edge_hbm.at[0, pl.ds(0, WINDOW)],
                            idx3.at[m, 0], sem3.at[m]).wait()
      pltpu.make_async_copy(edge_hbm.at[1, pl.ds(0, WINDOW)],
                            idx3.at[m, 1], sem3.at[m]).wait()

    def gather(w, rslot):
      m = lax.rem(w, 3) if not isinstance(w, int) else w % 3
      rv, sem = rows[rslot]
      pltpu.async_copy(table_hbm.at[idx3.at[m, 0]], rv, sem)

    def wait_gather(w, rslot):
      m = lax.rem(w, 3) if not isinstance(w, int) else w % 3
      rv, sem = rows[rslot]
      pltpu.make_async_copy(table_hbm.at[idx3.at[m, 0]], rv, sem).wait()

    def scatter(w, rslot):
      m = lax.rem(w, 3) if not isinstance(w, int) else w % 3
      rv = rows[rslot][0]
      pltpu.sync_copy(rv, agg_sh.at[idx3.at[m, 1]], add=True)

    load_idx(0)
    load_idx(1)
    load_idx(2)
    wait_idx(0)
    gather(0, 0)

    def body(k, carry):
      w = 2 * k
      wait_idx(w + 1)
      gather(w + 1, 1)
      wait_gather(w, 0)
      scatter(w, 0)

      @pl.when(w + 3 < nwin)
      def _():
        load_idx(w + 3)

      @pl.when(w + 2 < nwin)
      def _():
        wait_idx(w + 2)
        gather(w + 2, 0)
      wait_gather(w + 1, 1)
      scatter(w + 1, 1)

      @pl.when(w + 4 < nwin)
      def _():
        load_idx(w + 4)
      return carry

    lax.fori_loop(0, npairs, body, 0)
    if nwin % 2:
      wait_gather(nwin - 1, 0)
      scatter(nwin - 1, 0)
    plsc.subcore_barrier()
    pltpu.sync_copy(agg_sh.at[pl.ds(row0, rpt)],
                    out_hbm.at[c, pl.ds(row0, rpt)])

  return seg(table, edges, zeros)


def _tc_project_x(xg, w_rel_big, w_root_big, b1_tiled):
  nrows = xg.shape[0]

  def body(x_ref, wr_ref, wt_ref, b_ref, xr_ref, hp_ref):
    x = x_ref[...]
    xr_ref[...] = jnp.dot(x, wr_ref[...].T,
                          preferred_element_type=jnp.float32)
    hp_ref[...] = (jnp.dot(x, wt_ref[...].T,
                           preferred_element_type=jnp.float32) + b_ref[...])

  return pl.pallas_call(
      body,
      out_shape=[
          jax.ShapeDtypeStruct((nrows, 1024), jnp.float32),
          jax.ShapeDtypeStruct((nrows, 1024), jnp.float32),
      ],
  )(xg, w_rel_big, w_root_big, b1_tiled)


def _tc_combine1(agg1g, hprefg):
  nrows = hprefg.shape[0]
  blk = nrows // GRID

  def body(agg_ref, hp_ref, out_ref):
    z = agg_ref[0] + agg_ref[1] + hp_ref[...]
    out_ref[...] = jnp.where(z > 0.0, z, jnp.exp(z) - 1.0)

  return pl.pallas_call(
      body,
      grid=(GRID,),
      in_specs=[
          pl.BlockSpec((2, blk, 128), lambda i: (0, i, 0)),
          pl.BlockSpec((blk, 128), lambda i: (i, 0)),
      ],
      out_specs=pl.BlockSpec((blk, 128), lambda i: (i, 0)),
      out_shape=jax.ShapeDtypeStruct((nrows, 128), jnp.float32),
  )(agg1g, hprefg)


def _tc_layer2_head(agg2g, hg, nrows_valid, w2_rel_big, b2_tiled,
                    w2_root_big, wl1, bl1, wl2, bl2, wl3, bl3):
  nrows = hg.shape[0]
  blk = nrows // GRID

  def body(agg_ref, h_ref, wr_ref, b_ref, wt_ref,
           l1_ref, c1_ref, l2_ref, c2_ref, l3_ref, c3_ref,
           out_ref, gmax_ref):
    i = pl.program_id(0)
    agg = agg_ref[0] + agg_ref[1]
    h2 = (jnp.dot(agg, wr_ref[...].T, preferred_element_type=jnp.float32)
          + jnp.dot(h_ref[...], wt_ref[...].T,
                    preferred_element_type=jnp.float32)
          + b_ref[...])
    row = lax.broadcasted_iota(jnp.int32, h2.shape, 0) + i * blk
    h2 = jnp.where(row < nrows_valid, h2, -jnp.inf)
    bm = jnp.max(h2, axis=0, keepdims=True)

    @pl.when(i == 0)
    def _():
      gmax_ref[...] = bm

    @pl.when(i > 0)
    def _():
      gmax_ref[...] = jnp.maximum(gmax_ref[...], bm)

    @pl.when(i == GRID - 1)
    def _():
      gm = gmax_ref[...]
      g = gm[:, 0:32]
      for j in range(1, 8):
        g = jnp.maximum(g, gm[:, 32 * j:32 * j + 32])
      g = jnp.maximum(
          jnp.dot(g, l1_ref[...].T, preferred_element_type=jnp.float32)
          + c1_ref[...], 0.0)
      g = jnp.maximum(
          jnp.dot(g, l2_ref[...].T, preferred_element_type=jnp.float32)
          + c2_ref[...], 0.0)
      out_ref[...] = (
          jnp.sum(g * l3_ref[...], axis=1, keepdims=True) + c3_ref[...])

  full = lambda s: pl.BlockSpec(s, lambda i: (0,) * len(s))
  return pl.pallas_call(
      body,
      grid=(GRID,),
      in_specs=[
          pl.BlockSpec((2, blk, 128), lambda i: (0, i, 0)),
          pl.BlockSpec((blk, 128), lambda i: (i, 0)),
          full((256, 128)), full((1, 256)), full((256, 128)),
          full((16, 32)), full((1, 16)),
          full((8, 16)), full((1, 8)),
          full((1, 8)), full((1, 1)),
      ],
      out_specs=pl.BlockSpec((1, 1), lambda i: (0, 0)),
      out_shape=jax.ShapeDtypeStruct((1, 1), jnp.float32),
      scratch_shapes=[pltpu.VMEM((1, 256), jnp.float32)],
  )(agg2g, hg, w2_rel_big, b2_tiled, w2_root_big,
    wl1, bl1, wl2, bl2, wl3, bl3)


def kernel(x, edge_index, W1_rel, b1, W1_root, W2_rel, b2, W2_root,
           Wl1, bl1, Wl2, bl2, Wl3, bl3):
  n = x.shape[0]
  npad = ((n + 127) // 128) * 128
  edges = edge_index.astype(jnp.int32)
  xp = jnp.pad(x.astype(jnp.float32), ((0, npad - n), (0, 0)))
  xg = xp.reshape(npad // 64, 128)
  z16 = jnp.zeros((npad, 16), jnp.float32)

  eye64 = jnp.eye(64, dtype=jnp.float32)
  eye8 = jnp.eye(8, dtype=jnp.float32)
  w1_rel_big = jnp.kron(eye64, W1_rel)
  w1_root_big = jnp.kron(eye64, W1_root)
  b1_tiled = jnp.tile(b1, 64).reshape(1, 1024)
  w2_rel_big = jnp.kron(eye8, W2_rel)
  w2_root_big = jnp.kron(eye8, W2_root)
  b2_tiled = jnp.tile(b2, 8).reshape(1, 256)

  xr_g, hpref_g = _tc_project_x(xg, w1_rel_big, w1_root_big, b1_tiled)
  xr = xr_g.reshape(npad, 16)
  agg1r = _sc_segment_sum16(xr, edges, z16)
  hg = _tc_combine1(agg1r.reshape(2, npad // 8, 128),
                    hpref_g.reshape(npad // 8, 128))
  h = hg.reshape(npad, 16)
  agg2 = _sc_segment_sum16(h, edges, z16)
  out = _tc_layer2_head(
      agg2.reshape(2, npad // 8, 128), hg, n // 8,
      w2_rel_big, b2_tiled, w2_root_big,
      Wl1, bl1.reshape(1, -1), Wl2, bl2.reshape(1, -1),
      Wl3, bl3.reshape(1, -1))
  return out

# --- scband reference (transcript-rebuilt; emitter-appended) ---
"""Pipeline reference for scband-graph-discriminator-3341484556439 (READ-ONLY COPY).

The authoritative reference and input builder live on the scoring server;
editing this copy changes nothing except your own understanding.
"""

import jax, jax.numpy as jnp
import numpy as np

N_NODES = 100000
N_EDGES = 3200000

def setup_inputs(seed: int = 0) -> dict:
    key = jax.random.key(seed)
    ks = jax.random.split(key, 16)
    x = jax.random.normal(ks[0], (N_NODES, 2), dtype=jnp.float32)
    edge_index = jax.random.randint(ks[1], (2, N_EDGES), 0, N_NODES, dtype=jnp.int64)
    def lin(k, out_f, in_f):
        bound = 1.0 / np.sqrt(in_f)
        return jax.random.uniform(k, (out_f, in_f), minval=-bound, maxval=bound, dtype=jnp.float32)
    def bias(k, out_f, in_f):
        bound = 1.0 / np.sqrt(in_f)
        return jax.random.uniform(k, (out_f,), minval=-bound, maxval=bound, dtype=jnp.float32)
    return {
        "x": x,
        "edge_index": edge_index,
        "W1_rel": lin(ks[2], 16, 2), "b1": bias(ks[3], 16, 2), "W1_root": lin(ks[4], 16, 2),
        "W2_rel": lin(ks[5], 32, 16), "b2": bias(ks[6], 32, 16), "W2_root": lin(ks[7], 32, 16),
        "Wl1": lin(ks[8], 16, 32), "bl1": bias(ks[9], 16, 32),
        "Wl2": lin(ks[10], 8, 16), "bl2": bias(ks[11], 8, 16),
        "Wl3": lin(ks[12], 1, 8), "bl3": bias(ks[13], 1, 8),
    }

def graph_conv(x, src, dst, W_rel, b_rel, W_root):
    # PyG GraphConv (aggr='add'): out_i = W_root x_i + W_rel * sum_{j in N(i)} x_j + b
    agg = jax.ops.segment_sum(x[src], dst, num_segments=x.shape[0])
    return agg @ W_rel.T + b_rel + x @ W_root.T

def reference(x, edge_index, W1_rel, b1, W1_root, W2_rel, b2, W2_root, Wl1, bl1, Wl2, bl2, Wl3, bl3):
    src, dst = edge_index[0], edge_index[1]
    # eval mode: dropout is identity
    h = jax.nn.elu(graph_conv(x, src, dst, W1_rel, b1, W1_root))
    h = graph_conv(h, src, dst, W2_rel, b2, W2_root)
    # batch = zeros -> global max pool over all nodes (single graph)
    g = jnp.max(h, axis=0, keepdims=True)
    g = jax.nn.relu(g @ Wl1.T + bl1)
    g = jax.nn.relu(g @ Wl2.T + bl2)
    out = g @ Wl3.T + bl3
    return out

if __name__ == "__main__":
    import jax
    _d = setup_inputs()
    print(jax.jit(kernel)(*tuple(_d.values())))

</pallas_src>

<mosaic_0001>
#map = affine_map<(d0, d1) -> (0, 0)>
#map1 = affine_map<(d0, d1) -> (0, 0, 0)>
module attributes {stable_mosaic.version = 14 : i64} {
  func.func @seg(%arg0: i32, %arg1: i32, %arg2: memref<100096x16xf32, #tpu.memory_space<hbm>>, %arg3: memref<2x3200000xi32, #tpu.memory_space<hbm>>, %arg4: memref<100096x16xf32, #tpu.memory_space<hbm>>, %arg5: memref<2x100096x16xf32, #tpu.memory_space<hbm>>, %arg6: memref<100096x16xf32, #tpu.memory_space<vmem_shared>>, %arg7: memref<3x2x800xi32, #tpu.memory_space<vmem>>, %arg8: memref<800x16xf32, #tpu.memory_space<vmem>>, %arg9: memref<800x16xf32, #tpu.memory_space<vmem>>, %arg10: memref<3x!tpu.dma_semaphore, #tpu.memory_space<semaphore_mem>>, %arg11: memref<!tpu.dma_semaphore, #tpu.memory_space<semaphore_mem>>, %arg12: memref<!tpu.dma_semaphore, #tpu.memory_space<semaphore_mem>>) attributes {dimension_semantics = [#tpu.dimension_semantics<core_parallel>, #tpu.dimension_semantics<subcore_parallel>], iteration_bounds = array<i64: 2, 16>, scalar_prefetch = 0 : i64, scratch_operands = 7 : i64, tpu.core_type = #tpu.core_type<sc_vector_subcore>, window_params = [{transform_indices = #map}, {transform_indices = #map}, {transform_indices = #map}, {transform_indices = #map1}]} {
    %mul3A = arith.constant 6256 : i32
    %mul3A_0 = arith.muli %arg1, %mul3A : i32
    "tpu.region"() ({
      %run_scoped3A_170 = tpu.sem_alloc : memref<!tpu.dma_semaphore, #tpu.memory_space<semaphore_mem>>
      %dma_start3A_171 = arith.constant 0 : i32
      %dma_start3A_172 = tpu.memref_slice %arg6[%mul3A_0, %dma_start3A_171] : memref<100096x16xf32, #tpu.memory_space<vmem_shared>> -> memref<6256x16xf32, #tpu.memory_space<vmem_shared>>
      %dma_start3A_173 = arith.constant 0 : i32
      %dma_start3A_174 = tpu.memref_slice %arg4[%mul3A_0, %dma_start3A_173] : memref<100096x16xf32, #tpu.memory_space<hbm>> -> memref<6256x16xf32, #tpu.memory_space<hbm>>
      tpu.enqueue_dma source(%dma_start3A_174 : memref<6256x16xf32, #tpu.memory_space<hbm>>) target(%dma_start3A_172 : memref<6256x16xf32, #tpu.memory_space<vmem_shared>>) target_semaphore(%run_scoped3A_170 : memref<!tpu.dma_semaphore, #tpu.memory_space<semaphore_mem>>)
      %dma_wait3A_175 = arith.constant 0 : i32
      %dma_wait3A_176 = tpu.memref_slice %arg6[%mul3A_0, %dma_wait3A_175] : memref<100096x16xf32, #tpu.memory_space<vmem_shared>> -> memref<6256x16xf32, #tpu.memory_space<vmem_shared>>
      %dma_wait3A_177 = arith.constant 0 : i32
      %dma_wait3A_178 = tpu.memref_slice %arg4[%mul3A_0, %dma_wait3A_177] : memref<100096x16xf32, #tpu.memory_space<hbm>> -> memref<6256x16xf32, #tpu.memory_space<hbm>>
      tpu.wait_dma2 semaphore(%run_scoped3A_170 : memref<!tpu.dma_semaphore, #tpu.memory_space<semaphore_mem>>) src(%dma_wait3A_178 : memref<6256x16xf32, #tpu.memory_space<hbm>>) dst(%dma_wait3A_176 : memref<6256x16xf32, #tpu.memory_space<vmem_shared>>)
      tpu.yield
    }) : () -> ()
    %barrier3A = arith.constant 0 : index
    tpu.barrier barrier_id(%barrier3A)
    %mul3A_1 = arith.constant 16 : i32
    %mul3A_2 = arith.muli %arg0, %mul3A_1 : i32
    %add3A = arith.addi %mul3A_2, %arg1 : i32
    %mul3A_3 = arith.constant 100000 : i32
    %mul3A_4 = arith.muli %add3A, %mul3A_3 : i32
    %add3A_5 = arith.constant 0 : i32
    %add3A_6 = arith.addi %mul3A_4, %add3A_5 : i32
    %dma_start3A = arith.constant 0 : i32
    %dma_start3A_7 = arith.constant 0 : i32
    %dma_start3A_8 = arith.constant 0 : i32
    %dma_start3A_9 = arith.constant 0 : i32
    %dma_start3A_10 = arith.constant 0 : i32
    %dma_start3A_11 = tpu.memref_slice %arg7[%dma_start3A_7, %dma_start3A_8, %dma_start3A_10] : memref<3x2x800xi32, #tpu.memory_space<vmem>> -> memref<1x1x800xi32, #tpu.memory_space<vmem>>
    %dma_start3A_12 = tpu.memref_squeeze %dma_start3A_11 : memref<1x1x800xi32, #tpu.memory_space<vmem>> -> memref<800xi32, #tpu.memory_space<vmem>>
    %dma_start3A_13 = tpu.memref_slice %arg3[%dma_start3A, %add3A_6] : memref<2x3200000xi32, #tpu.memory_space<hbm>> -> memref<1x800xi32, #tpu.memory_space<hbm>>
    %dma_start3A_14 = tpu.memref_squeeze %dma_start3A_13 : memref<1x800xi32, #tpu.memory_space<hbm>> -> memref<800xi32, #tpu.memory_space<hbm>>
    %dma_start3A_15 = tpu.memref_slice %arg10[%dma_start3A_9] : memref<3x!tpu.dma_semaphore, #tpu.memory_space<semaphore_mem>> -> memref<1x!tpu.dma_semaphore, #tpu.memory_space<semaphore_mem>>
    %dma_start3A_16 = tpu.memref_squeeze %dma_start3A_15 : memref<1x!tpu.dma_semaphore, #tpu.memory_space<semaphore_mem>> -> memref<!tpu.dma_semaphore, #tpu.memory_space<semaphore_mem>>
    %dma_start3A_17 = arith.constant 0 : i32
    %dma_start3A_18 = tpu.memref_slice %arg7[%dma_start3A_7, %dma_start3A_8, %dma_start3A_17] : memref<3x2x800xi32, #tpu.memory_space<vmem>> -> memref<1x1x800xi32, #tpu.memory_space<vmem>>
    %dma_start3A_19 = tpu.memref_squeeze %dma_start3A_18 : memref<1x1x800xi32, #tpu.memory_space<vmem>> -> memref<800xi32, #tpu.memory_space<vmem>>
    %dma_start3A_20 = tpu.memref_slice %arg3[%dma_start3A, %add3A_6] : memref<2x3200000xi32, #tpu.memory_space<hbm>> -> memref<1x800xi32, #tpu.memory_space<hbm>>
    %dma_start3A_21 = tpu.memref_squeeze %dma_start3A_20 : memref<1x800xi32, #tpu.memory_space<hbm>> -> memref<800xi32, #tpu.memory_space<hbm>>
    tpu.enqueue_dma source(%dma_start3A_21 : memref<800xi32, #tpu.memory_space<hbm>>) target(%dma_start3A_19 : memref<800xi32, #tpu.memory_space<vmem>>) target_semaphore(%dma_start3A_16 : memref<!tpu.dma_semaphore, #tpu.memory_space<semaphore_mem>>)
    %add3A_22 = arith.constant 0 : i32
    %add3A_23 = arith.addi %mul3A_4, %add3A_22 : i32
    %dma_start3A_24 = arith.constant 1 : i32
    %dma_start3A_25 = arith.constant 0 : i32
    %dma_start3A_26 = arith.constant 1 : i32
    %dma_start3A_27 = arith.constant 0 : i32
    %dma_start3A_28 = arith.constant 0 : i32
    %dma_start3A_29 = tpu.memref_slice %arg7[%dma_start3A_25, %dma_start3A_26, %dma_start3A_28] : memref<3x2x800xi32, #tpu.memory_space<vmem>> -> memref<1x1x800xi32, #tpu.memory_space<vmem>>
    %dma_start3A_30 = tpu.memref_squeeze %dma_start3A_29 : memref<1x1x800xi32, #tpu.memory_space<vmem>> -> memref<800xi32, #tpu.memory_space<vmem>>
    %dma_start3A_31 = tpu.memref_slice %arg3[%dma_start3A_24, %add3A_23] : memref<2x3200000xi32, #tpu.memory_space<hbm>> -> memref<1x800xi32, #tpu.memory_space<hbm>>
    %dma_start3A_32 = tpu.memref_squeeze %dma_start3A_31 : memref<1x800xi32, #tpu.memory_space<hbm>> -> memref<800xi32, #tpu.memory_space<hbm>>
    %dma_start3A_33 = tpu.memref_slice %arg10[%dma_start3A_27] : memref<3x!tpu.dma_semaphore, #tpu.memory_space<semaphore_mem>> -> memref<1x!tpu.dma_semaphore, #tpu.memory_space<semaphore_mem>>
    %dma_start3A_34 = tpu.memref_squeeze %dma_start3A_33 : memref<1x!tpu.dma_semaphore, #tpu.memory_space<semaphore_mem>> -> memref<!tpu.dma_semaphore, #tpu.memory_space<semaphore_mem>>
    %dma_start3A_35 = arith.constant 0 : i32
    %dma_start3A_36 = tpu.memref_slice %arg7[%dma_start3A_25, %dma_start3A_26, %dma_start3A_35] : memref<3x2x800xi32, #tpu.memory_space<vmem>> -> memref<1x1x800xi32, #tpu.memory_space<vmem>>
    %dma_start3A_37 = tpu.memref_squeeze %dma_start3A_36 : memref<1x1x800xi32, #tpu.memory_space<vmem>> -> memref<800xi32, #tpu.memory_space<vmem>>
    %dma_start3A_38 = tpu.memref_slice %arg3[%dma_start3A_24, %add3A_23] : memref<2x3200000xi32, #tpu.memory_space<hbm>> -> memref<1x800xi32, #tpu.memory_space<hbm>>
    %dma_start3A_39 = tpu.memref_squeeze %dma_start3A_38 : memref<1x800xi32, #tpu.memory_space<hbm>> -> memref<800xi32, #tpu.memory_space<hbm>>
    tpu.enqueue_dma source(%dma_start3A_39 : memref<800xi32, #tpu.memory_space<hbm>>) target(%dma_start3A_37 : memref<800xi32, #tpu.memory_space<vmem>>) target_semaphore(%dma_start3A_34 : memref<!tpu.dma_semaphore, #tpu.memory_space<semaphore_mem>>)
    %add3A_40 = arith.constant 800 : i32
    %add3A_41 = arith.addi %mul3A_4, %add3A_40 : i32
    %dma_start3A_42 = arith.constant 0 : i32
    %dma_start3A_43 = arith.constant 1 : i32
    %dma_start3A_44 = arith.constant 0 : i32
    %dma_start3A_45 = arith.constant 1 : i32
    %dma_start3A_46 = arith.constant 0 : i32
    %dma_start3A_47 = tpu.memref_slice %arg7[%dma_start3A_43, %dma_start3A_44, %dma_start3A_46] : memref<3x2x800xi32, #tpu.memory_space<vmem>> -> memref<1x1x800xi32, #tpu.memory_space<vmem>>
    %dma_start3A_48 = tpu.memref_squeeze %dma_start3A_47 : memref<1x1x800xi32, #tpu.memory_space<vmem>> -> memref<800xi32, #tpu.memory_space<vmem>>
    %dma_start3A_49 = tpu.memref_slice %arg3[%dma_start3A_42, %add3A_41] : memref<2x3200000xi32, #tpu.memory_space<hbm>> -> memref<1x800xi32, #tpu.memory_space<hbm>>
    %dma_start3A_50 = tpu.memref_squeeze %dma_start3A_49 : memref<1x800xi32, #tpu.memory_space<hbm>> -> memref<800xi32, #tpu.memory_space<hbm>>
    %dma_start3A_51 = tpu.memref_slice %arg10[%dma_start3A_45] : memref<3x!tpu.dma_semaphore, #tpu.memory_space<semaphore_mem>> -> memref<1x!tpu.dma_semaphore, #tpu.memory_space<semaphore_mem>>
    %dma_start3A_52 = tpu.memref_squeeze %dma_start3A_51 : memref<1x!tpu.dma_semaphore, #tpu.memory_space<semaphore_mem>> -> memref<!tpu.dma_semaphore, #tpu.memory_space<semaphore_mem>>
    %dma_start3A_53 = arith.constant 0 : i32
    %dma_start3A_54 = tpu.memref_slice %arg7[%dma_start3A_43, %dma_start3A_44, %dma_start3A_53] : memref<3x2x800xi32, #tpu.memory_space<vmem>> -> memref<1x1x800xi32, #tpu.memory_space<vmem>>
    %dma_start3A_55 = tpu.memref_squeeze %dma_start3A_54 : memref<1x1x800xi32, #tpu.memory_space<vmem>> -> memref<800xi32, #tpu.memory_space<vmem>>
    %dma_start3A_56 = tpu.memref_slice %arg3[%dma_start3A_42, %add3A_41] : memref<2x3200000xi32, #tpu.memory_space<hbm>> -> memref<1x800xi32, #tpu.memory_space<hbm>>
    %dma_start3A_57 = tpu.memref_squeeze %dma_start3A_56 : memref<1x800xi32, #tpu.memory_space<hbm>> -> memref<800xi32, #tpu.memory_space<hbm>>
    tpu.enqueue_dma source(%dma_start3A_57 : memref<800xi32, #tpu.memory_space<hbm>>) target(%dma_start3A_55 : memref<800xi32, #tpu.memory_space<vmem>>) target_semaphore(%dma_start3A_52 : memref<!tpu.dma_semaphore, #tpu.memory_space<semaphore_mem>>)
    %add3A_58 = arith.constant 800 : i32
    %add3A_59 = arith.addi %mul3A_4, %add3A_58 : i32
    %dma_start3A_60 = arith.constant 1 : i32
    %dma_start3A_61 = arith.constant 1 : i32
    %dma_start3A_62 = arith.constant 1 : i32
    %dma_start3A_63 = arith.constant 1 : i32
    %dma_start3A_64 = arith.constant 0 : i32
    %dma_start3A_65 = tpu.memref_slice %arg7[%dma_start3A_61, %dma_start3A_62, %dma_start3A_64] : memref<3x2x800xi32, #tpu.memory_space<vmem>> -> memref<1x1x800xi32, #tpu.memory_space<vmem>>
    %dma_start3A_66 = tpu.memref_squeeze %dma_start3A_65 : memref<1x1x800xi32, #tpu.memory_space<vmem>> -> memref<800xi32, #tpu.memory_space<vmem>>
    %dma_start3A_67 = tpu.memref_slice %arg3[%dma_start3A_60, %add3A_59] : memref<2x3200000xi32, #tpu.memory_space<hbm>> -> memref<1x800xi32, #tpu.memory_space<hbm>>
    %dma_start3A_68 = tpu.memref_squeeze %dma_start3A_67 : memref<1x800xi32, #tpu.memory_space<hbm>> -> memref<800xi32, #tpu.memory_space<hbm>>
    %dma_start3A_69 = tpu.memref_slice %arg10[%dma_start3A_63] : memref<3x!tpu.dma_semaphore, #tpu.memory_space<semaphore_mem>> -> memref<1x!tpu.dma_semaphore, #tpu.memory_space<semaphore_mem>>
    %dma_start3A_70 = tpu.memref_squeeze %dma_start3A_69 : memref<1x!tpu.dma_semaphore, #tpu.memory_space<semaphore_mem>> -> memref<!tpu.dma_semaphore, #tpu.memory_space<semaphore_mem>>
    %dma_start3A_71 = arith.constant 0 : i32
    %dma_start3A_72 = tpu.memref_slice %arg7[%dma_start3A_61, %dma_start3A_62, %dma_start3A_71] : memref<3x2x800xi32, #tpu.memory_space<vmem>> -> memref<1x1x800xi32, #tpu.memory_space<vmem>>
    %dma_start3A_73 = tpu.memref_squeeze %dma_start3A_72 : memref<1x1x800xi32, #tpu.memory_space<vmem>> -> memref<800xi32, #tpu.memory_space<vmem>>
    %dma_start3A_74 = tpu.memref_slice %arg3[%dma_start3A_60, %add3A_59] : memref<2x3200000xi32, #tpu.memory_space<hbm>> -> memref<1x800xi32, #tpu.memory_space<hbm>>
    %dma_start3A_75 = tpu.memref_squeeze %dma_start3A_74 : memref<1x800xi32, #tpu.memory_space<hbm>> -> memref<800xi32, #tpu.memory_space<hbm>>
    tpu.enqueue_dma source(%dma_start3A_75 : memref<800xi32, #tpu.memory_space<hbm>>) target(%dma_start3A_73 : memref<800xi32, #tpu.memory_space<vmem>>) target_semaphore(%dma_start3A_70 : memref<!tpu.dma_semaphore, #tpu.memory_space<semaphore_mem>>)
    %add3A_76 = arith.constant 1600 : i32
    %add3A_77 = arith.addi %mul3A_4, %add3A_76 : i32
    %dma_start3A_78 = arith.constant 0 : i32
    %dma_start3A_79 = arith.constant 2 : i32
    %dma_start3A_80 = arith.constant 0 : i32
    %dma_start3A_81 = arith.constant 2 : i32
    %dma_start3A_82 = arith.constant 0 : i32
    %dma_start3A_83 = tpu.memref_slice %arg7[%dma_start3A_79, %dma_start3A_80, %dma_start3A_82] : memref<3x2x800xi32, #tpu.memory_space<vmem>> -> memref<1x1x800xi32, #tpu.memory_space<vmem>>
    %dma_start3A_84 = tpu.memref_squeeze %dma_start3A_83 : memref<1x1x800xi32, #tpu.memory_space<vmem>> -> memref<800xi32, #tpu.memory_space<vmem>>
    %dma_start3A_85 = tpu.memref_slice %arg3[%dma_start3A_78, %add3A_77] : memref<2x3200000xi32, #tpu.memory_space<hbm>> -> memref<1x800xi32, #tpu.memory_space<hbm>>
    %dma_start3A_86 = tpu.memref_squeeze %dma_start3A_85 : memref<1x800xi32, #tpu.memory_space<hbm>> -> memref<800xi32, #tpu.memory_space<hbm>>
    %dma_start3A_87 = tpu.memref_slice %arg10[%dma_start3A_81] : memref<3x!tpu.dma_semaphore, #tpu.memory_space<semaphore_mem>> -> memref<1x!tpu.dma_semaphore, #tpu.memory_space<semaphore_mem>>
    %dma_start3A_88 = tpu.memref_squeeze %dma_start3A_87 : memref<1x!tpu.dma_semaphore, #tpu.memory_space<semaphore_mem>> -> memref<!tpu.dma_semaphore, #tpu.memory_space<semaphore_mem>>
    %dma_start3A_89 = arith.constant 0 : i32
    %dma_start3A_90 = tpu.memref_slice %arg7[%dma_start3A_79, %dma_start3A_80, %dma_start3A_89] : memref<3x2x800xi32, #tpu.memory_space<vmem>> -> memref<1x1x800xi32, #tpu.memory_space<vmem>>
    %dma_start3A_91 = tpu.memref_squeeze %dma_start3A_90 : memref<1x1x800xi32, #tpu.memory_space<vmem>> -> memref<800xi32, #tpu.memory_space<vmem>>
    %dma_start3A_92 = tpu.memref_slice %arg3[%dma_start3A_78, %add3A_77] : memref<2x3200000xi32, #tpu.memory_space<hbm>> -> memref<1x800xi32, #tpu.memory_space<hbm>>
    %dma_start3A_93 = tpu.memref_squeeze %dma_start3A_92 : memref<1x800xi32, #tpu.memory_space<hbm>> -> memref<800xi32, #tpu.memory_space<hbm>>
    tpu.enqueue_dma source(%dma_start3A_93 : memref<800xi32, #tpu.memory_space<hbm>>) target(%dma_start3A_91 : memref<800xi32, #tpu.memory_space<vmem>>) target_semaphore(%dma_start3A_88 : memref<!tpu.dma_semaphore, #tpu.memory_space<semaphore_mem>>)
    %add3A_94 = arith.constant 1600 : i32
    %add3A_95 = arith.addi %mul3A_4, %add3A_94 : i32
    %dma_start3A_96 = arith.constant 1 : i32
    %dma_start3A_97 = arith.constant 2 : i32
    %dma_start3A_98 = arith.constant 1 : i32
    %dma_start3A_99 = arith.constant 2 : i32
    %dma_start3A_100 = arith.constant 0 : i32
    %dma_start3A_101 = tpu.memref_slice %arg7[%dma_start3A_97, %dma_start3A_98, %dma_start3A_100] : memref<3x2x800xi32, #tpu.memory_space<vmem>> -> memref<1x1x800xi32, #tpu.memory_space<vmem>>
    %dma_start3A_102 = tpu.memref_squeeze %dma_start3A_101 : memref<1x1x800xi32, #tpu.memory_space<vmem>> -> memref<800xi32, #tpu.memory_space<vmem>>
    %dma_start3A_103 = tpu.memref_slice %arg3[%dma_start3A_96, %add3A_95] : memref<2x3200000xi32, #tpu.memory_space<hbm>> -> memref<1x800xi32, #tpu.memory_space<hbm>>
    %dma_start3A_104 = tpu.memref_squeeze %dma_start3A_103 : memref<1x800xi32, #tpu.memory_space<hbm>> -> memref<800xi32, #tpu.memory_space<hbm>>
    %dma_start3A_105 = tpu.memref_slice %arg10[%dma_start3A_99] : memref<3x!tpu.dma_semaphore, #tpu.memory_space<semaphore_mem>> -> memref<1x!tpu.dma_semaphore, #tpu.memory_space<semaphore_mem>>
    %dma_start3A_106 = tpu.memref_squeeze %dma_start3A_105 : memref<1x!tpu.dma_semaphore, #tpu.memory_space<semaphore_mem>> -> memref<!tpu.dma_semaphore, #tpu.memory_space<semaphore_mem>>
    %dma_start3A_107 = arith.constant 0 : i32
    %dma_start3A_108 = tpu.memref_slice %arg7[%dma_start3A_97, %dma_start3A_98, %dma_start3A_107] : memref<3x2x800xi32, #tpu.memory_space<vmem>> -> memref<1x1x800xi32, #tpu.memory_space<vmem>>
    %dma_start3A_109 = tpu.memref_squeeze %dma_start3A_108 : memref<1x1x800xi32, #tpu.memory_space<vmem>> -> memref<800xi32, #tpu.memory_space<vmem>>
    %dma_start3A_110 = tpu.memref_slice %arg3[%dma_start3A_96, %add3A_95] : memref<2x3200000xi32, #tpu.memory_space<hbm>> -> memref<1x800xi32, #tpu.memory_space<hbm>>
    %dma_start3A_111 = tpu.memref_squeeze %dma_start3A_110 : memref<1x800xi32, #tpu.memory_space<hbm>> -> memref<800xi32, #tpu.memory_space<hbm>>
    tpu.enqueue_dma source(%dma_start3A_111 : memref<800xi32, #tpu.memory_space<hbm>>) target(%dma_start3A_109 : memref<800xi32, #tpu.memory_space<vmem>>) target_semaphore(%dma_start3A_106 : memref<!tpu.dma_semaphore, #tpu.memory_space<semaphore_mem>>)
    %dma_wait3A = arith.constant 0 : i32
    %dma_wait3A_112 = arith.constant 0 : i32
    %dma_wait3A_113 = arith.constant 0 : i32
    %dma_wait3A_114 = arith.constant 0 : i32
    %dma_wait3A_115 = arith.constant 0 : i32
    %dma_wait3A_116 = tpu.memref_slice %arg7[%dma_wait3A_112, %dma_wait3A_113, %dma_wait3A_115] : memref<3x2x800xi32, #tpu.memory_space<vmem>> -> memref<1x1x800xi32, #tpu.memory_space<vmem>>
    %dma_wait3A_117 = tpu.memref_squeeze %dma_wait3A_116 : memref<1x1x800xi32, #tpu.memory_space<vmem>> -> memref<800xi32, #tpu.memory_space<vmem>>
    %dma_wait3A_118 = arith.constant 0 : i32
    %dma_wait3A_119 = tpu.memref_slice %arg3[%dma_wait3A, %dma_wait3A_118] : memref<2x3200000xi32, #tpu.memory_space<hbm>> -> memref<1x800xi32, #tpu.memory_space<hbm>>
    %dma_wait3A_120 = tpu.memref_squeeze %dma_wait3A_119 : memref<1x800xi32, #tpu.memory_space<hbm>> -> memref<800xi32, #tpu.memory_space<hbm>>
    %dma_wait3A_121 = tpu.memref_slice %arg10[%dma_wait3A_114] : memref<3x!tpu.dma_semaphore, #tpu.memory_space<semaphore_mem>> -> memref<1x!tpu.dma_semaphore, #tpu.memory_space<semaphore_mem>>
    %dma_wait3A_122 = tpu.memref_squeeze %dma_wait3A_121 : memref<1x!tpu.dma_semaphore, #tpu.memory_space<semaphore_mem>> -> memref<!tpu.dma_semaphore, #tpu.memory_space<semaphore_mem>>
    %dma_wait3A_123 = arith.constant 0 : i32
    %dma_wait3A_124 = tpu.memref_slice %arg7[%dma_wait3A_112, %dma_wait3A_113, %dma_wait3A_123] : memref<3x2x800xi32, #tpu.memory_space<vmem>> -> memref<1x1x800xi32, #tpu.memory_space<vmem>>
    %dma_wait3A_125 = tpu.memref_squeeze %dma_wait3A_124 : memref<1x1x800xi32, #tpu.memory_space<vmem>> -> memref<800xi32, #tpu.memory_space<vmem>>
    %dma_wait3A_126 = arith.constant 0 : i32
    %dma_wait3A_127 = tpu.memref_slice %arg3[%dma_wait3A, %dma_wait3A_126] : memref<2x3200000xi32, #tpu.memory_space<hbm>> -> memref<1x800xi32, #tpu.memory_space<hbm>>
    %dma_wait3A_128 = tpu.memref_squeeze %dma_wait3A_127 : memref<1x800xi32, #tpu.memory_space<hbm>> -> memref<800xi32, #tpu.memory_space<hbm>>
    tpu.wait_dma2 semaphore(%dma_wait3A_122 : memref<!tpu.dma_semaphore, #tpu.memory_space<semaphore_mem>>) src(%dma_wait3A_128 : memref<800xi32, #tpu.memory_space<hbm>>) dst(%dma_wait3A_125 : memref<800xi32, #tpu.memory_space<vmem>>)
    %dma_wait3A_129 = arith.constant 1 : i32
    %dma_wait3A_130 = arith.constant 0 : i32
    %dma_wait3A_131 = arith.constant 1 : i32
    %dma_wait3A_132 = arith.constant 0 : i32
    %dma_wait3A_133 = arith.constant 0 : i32
    %dma_wait3A_134 = tpu.memref_slice %arg7[%dma_wait3A_130, %dma_wait3A_131, %dma_wait3A_133] : memref<3x2x800xi32, #tpu.memory_space<vmem>> -> memref<1x1x800xi32, #tpu.memory_space<vmem>>
    %dma_wait3A_135 = tpu.memref_squeeze %dma_wait3A_134 : memref<1x1x800xi32, #tpu.memory_space<vmem>> -> memref<800xi32, #tpu.memory_space<vmem>>
    %dma_wait3A_136 = arith.constant 0 : i32
    %dma_wait3A_137 = tpu.memref_slice %arg3[%dma_wait3A_129, %dma_wait3A_136] : memref<2x3200000xi32, #tpu.memory_space<hbm>> -> memref<1x800xi32, #tpu.memory_space<hbm>>
    %dma_wait3A_138 = tpu.memref_squeeze %dma_wait3A_137 : memref<1x800xi32, #tpu.memory_space<hbm>> -> memref<800xi32, #tpu.memory_space<hbm>>
    %dma_wait3A_139 = tpu.memref_slice %arg10[%dma_wait3A_132] : memref<3x!tpu.dma_semaphore, #tpu.memory_space<semaphore_mem>> -> memref<1x!tpu.dma_semaphore, #tpu.memory_space<semaphore_mem>>
    %dma_wait3A_140 = tpu.memref_squeeze %dma_wait3A_139 : memref<1x!tpu.dma_semaphore, #tpu.memory_space<semaphore_mem>> -> memref<!tpu.dma_semaphore, #tpu.memory_space<semaphore_mem>>
    %dma_wait3A_141 = arith.constant 0 : i32
    %dma_wait3A_142 = tpu.memref_slice %arg7[%dma_wait3A_130, %dma_wait3A_131, %dma_wait3A_141] : memref<3x2x800xi32, #tpu.memory_space<vmem>> -> memref<1x1x800xi32, #tpu.memory_space<vmem>>
    %dma_wait3A_143 = tpu.memref_squeeze %dma_wait3A_142 : memref<1x1x800xi32, #tpu.memory_space<vmem>> -> memref<800xi32, #tpu.memory_space<vmem>>
    %dma_wait3A_144 = arith.constant 0 : i32
    %dma_wait3A_145 = tpu.memref_slice %arg3[%dma_wait3A_129, %dma_wait3A_144] : memref<2x3200000xi32, #tpu.memory_space<hbm>> -> memref<1x800xi32, #tpu.memory_space<hbm>>
    %dma_wait3A_146 = tpu.memref_squeeze %dma_wait3A_145 : memref<1x800xi32, #tpu.memory_space<hbm>> -> memref<800xi32, #tpu.memory_space<hbm>>
    tpu.wait_dma2 semaphore(%dma_wait3A_140 : memref<!tpu.dma_semaphore, #tpu.memory_space<semaphore_mem>>) src(%dma_wait3A_146 : memref<800xi32, #tpu.memory_space<hbm>>) dst(%dma_wait3A_143 : memref<800xi32, #tpu.memory_space<vmem>>)
    %dma_start3A_147 = arith.constant 0 : i32
    %dma_start3A_148 = arith.constant 0 : i32
    %dma_start3A_149 = arith.constant 0 : i32
    %dma_start3A_150 = tpu.memref_slice %arg7[%dma_start3A_147, %dma_start3A_148, %dma_start3A_149] : memref<3x2x800xi32, #tpu.memory_space<vmem>> -> memref<1x1x800xi32, #tpu.memory_space<vmem>>
    %dma_start3A_151 = tpu.memref_squeeze %dma_start3A_150 : memref<1x1x800xi32, #tpu.memory_space<vmem>> -> memref<800xi32, #tpu.memory_space<vmem>>
    %dma_start3A_152 = arith.constant 0 : i32
    %dma_start3A_153 = arith.constant 0 : i32
    %dma_start3A_154 = tpu.memref_slice %arg2[%dma_start3A_152, %dma_start3A_153] : memref<100096x16xf32, #tpu.memory_space<hbm>> -> memref<100096x16xf32, #tpu.memory_space<hbm>>
    tpu.enqueue_indirect_dma source(%dma_start3A_154 : memref<100096x16xf32, #tpu.memory_space<hbm>>) target(%arg8 : memref<800x16xf32, #tpu.memory_space<vmem>>) offsets(%dma_start3A_151 : memref<800xi32, #tpu.memory_space<vmem>>) semaphore(%arg11 : memref<!tpu.dma_semaphore, #tpu.memory_space<semaphore_mem>>)
    %scan3A = arith.constant 0 : i32
    %scan3A_155 = arith.constant 0 : i32
    %scan3A_156 = arith.constant 62 : i32
    %scan3A_157 = arith.addi %scan3A_155, %scan3A_156 : i32
    %scan3A_158 = arith.constant 1 : i32
    scf.for %scan3A_170 = %scan3A_155 to %scan3A_157 step %scan3A_158  : i32 {
      %mul3A_171 = arith.constant 2 : i32
      %mul3A_172 = arith.muli %mul3A_171, %scan3A_170 : i32
      %add3A_173 = arith.constant 1 : i32
      %add3A_174 = arith.addi %mul3A_172, %add3A_173 : i32
      %rem3A = arith.constant 3 : i32
      %rem3A_175 = arith.remsi %add3A_174, %rem3A : i32
      %dma_wait3A_176 = arith.constant 0 : i32
      %dma_wait3A_177 = arith.constant 0 : i32
      %dma_wait3A_178 = arith.constant 0 : i32
      %dma_wait3A_179 = tpu.memref_slice %arg7[%rem3A_175, %dma_wait3A_177, %dma_wait3A_178] : memref<3x2x800xi32, #tpu.memory_space<vmem>> -> memref<1x1x800xi32, #tpu.memory_space<vmem>>
      %dma_wait3A_180 = tpu.memref_squeeze %dma_wait3A_179 : memref<1x1x800xi32, #tpu.memory_space<vmem>> -> memref<800xi32, #tpu.memory_space<vmem>>
      %dma_wait3A_181 = arith.constant 0 : i32
      %dma_wait3A_182 = tpu.memref_slice %arg3[%dma_wait3A_176, %dma_wait3A_181] : memref<2x3200000xi32, #tpu.memory_space<hbm>> -> memref<1x800xi32, #tpu.memory_space<hbm>>
      %dma_wait3A_183 = tpu.memref_squeeze %dma_wait3A_182 : memref<1x800xi32, #tpu.memory_space<hbm>> -> memref<800xi32, #tpu.memory_space<hbm>>
      %dma_wait3A_184 = tpu.memref_slice %arg10[%rem3A_175] : memref<3x!tpu.dma_semaphore, #tpu.memory_space<semaphore_mem>> -> memref<1x!tpu.dma_semaphore, #tpu.memory_space<semaphore_mem>>
      %dma_wait3A_185 = tpu.memref_squeeze %dma_wait3A_184 : memref<1x!tpu.dma_semaphore, #tpu.memory_space<semaphore_mem>> -> memref<!tpu.dma_semaphore, #tpu.memory_space<semaphore_mem>>
      %dma_wait3A_186 = arith.constant 0 : i32
      %dma_wait3A_187 = tpu.memref_slice %arg7[%rem3A_175, %dma_wait3A_177, %dma_wait3A_186] : memref<3x2x800xi32, #tpu.memory_space<vmem>> -> memref<1x1x800xi32, #tpu.memory_space<vmem>>
      %dma_wait3A_188 = tpu.memref_squeeze %dma_wait3A_187 : memref<1x1x800xi32, #tpu.memory_space<vmem>> -> memref<800xi32, #tpu.memory_space<vmem>>
      %dma_wait3A_189 = arith.constant 0 : i32
      %dma_wait3A_190 = tpu.memref_slice %arg3[%dma_wait3A_176, %dma_wait3A_189] : memref<2x3200000xi32, #tpu.memory_space<hbm>> -> memref<1x800xi32, #tpu.memory_space<hbm>>
      %dma_wait3A_191 = tpu.memref_squeeze %dma_wait3A_190 : memref<1x800xi32, #tpu.memory_space<hbm>> -> memref<800xi32, #tpu.memory_space<hbm>>
      tpu.wait_dma2 semaphore(%dma_wait3A_185 : memref<!tpu.dma_semaphore, #tpu.memory_space<semaphore_mem>>) src(%dma_wait3A_191 : memref<800xi32, #tpu.memory_space<hbm>>) dst(%dma_wait3A_188 : memref<800xi32, #tpu.memory_space<vmem>>)
      %dma_wait3A_192 = arith.constant 1 : i32
      %dma_wait3A_193 = arith.constant 1 : i32
      %dma_wait3A_194 = arith.constant 0 : i32
      %dma_wait3A_195 = tpu.memref_slice %arg7[%rem3A_175, %dma_wait3A_193, %dma_wait3A_194] : memref<3x2x800xi32, #tpu.memory_space<vmem>> -> memref<1x1x800xi32, #tpu.memory_space<vmem>>
      %dma_wait3A_196 = tpu.memref_squeeze %dma_wait3A_195 : memref<1x1x800xi32, #tpu.memory_space<vmem>> -> memref<800xi32, #tpu.memory_space<vmem>>
      %dma_wait3A_197 = arith.constant 0 : i32
      %dma_wait3A_198 = tpu.memref_slice %arg3[%dma_wait3A_192, %dma_wait3A_197] : memref<2x3200000xi32, #tpu.memory_space<hbm>> -> memref<1x800xi32, #tpu.memory_space<hbm>>
      %dma_wait3A_199 = tpu.memref_squeeze %dma_wait3A_198 : memref<1x800xi32, #tpu.memory_space<hbm>> -> memref<800xi32, #tpu.memory_space<hbm>>
      %dma_wait3A_200 = tpu.memref_slice %arg10[%rem3A_175] : memref<3x!tpu.dma_semaphore, #tpu.memory_space<semaphore_mem>> -> memref<1x!tpu.dma_semaphore, #tpu.memory_space<semaphore_mem>>
      %dma_wait3A_201 = tpu.memref_squeeze %dma_wait3A_200 : memref<1x!tpu.dma_semaphore, #tpu.memory_space<semaphore_mem>> -> memref<!tpu.dma_semaphore, #tpu.memory_space<semaphore_mem>>
      %dma_wait3A_202 = arith.constant 0 : i32
      %dma_wait3A_203 = tpu.memref_slice %arg7[%rem3A_175, %dma_wait3A_193, %dma_wait3A_202] : memref<3x2x800xi32, #tpu.memory_space<vmem>> -> memref<1x1x800xi32, #tpu.memory_space<vmem>>
      %dma_wait3A_204 = tpu.memref_squeeze %dma_wait3A_203 : memref<1x1x800xi32, #tpu.memory_space<vmem>> -> memref<800xi32, #tpu.memory_space<vmem>>
      %dma_wait3A_205 = arith.constant 0 : i32
      %dma_wait3A_206 = tpu.memref_slice %arg3[%dma_wait3A_192, %dma_wait3A_205] : memref<2x3200000xi32, #tpu.memory_space<hbm>> -> memref<1x800xi32, #tpu.memory_space<hbm>>
      %dma_wait3A_207 = tpu.memref_squeeze %dma_wait3A_206 : memref<1x800xi32, #tpu.memory_space<hbm>> -> memref<800xi32, #tpu.memory_space<hbm>>
      tpu.wait_dma2 semaphore(%dma_wait3A_201 : memref<!tpu.dma_semaphore, #tpu.memory_space<semaphore_mem>>) src(%dma_wait3A_207 : memref<800xi32, #tpu.memory_space<hbm>>) dst(%dma_wait3A_204 : memref<800xi32, #tpu.memory_space<vmem>>)
      %add3A_208 = arith.constant 1 : i32
      %add3A_209 = arith.addi %mul3A_172, %add3A_208 : i32
      %rem3A_210 = arith.constant 3 : i32
      %rem3A_211 = arith.remsi %add3A_209, %rem3A_210 : i32
      %dma_start3A_212 = arith.constant 0 : i32
      %dma_start3A_213 = arith.constant 0 : i32
      %dma_start3A_214 = tpu.memref_slice %arg7[%rem3A_211, %dma_start3A_212, %dma_start3A_213] : memref<3x2x800xi32, #tpu.memory_space<vmem>> -> memref<1x1x800xi32, #tpu.memory_space<vmem>>
      %dma_start3A_215 = tpu.memref_squeeze %dma_start3A_214 : memref<1x1x800xi32, #tpu.memory_space<vmem>> -> memref<800xi32, #tpu.memory_space<vmem>>
      %dma_start3A_216 = arith.constant 0 : i32
      %dma_start3A_217 = arith.constant 0 : i32
      %dma_start3A_218 = tpu.memref_slice %arg2[%dma_start3A_216, %dma_start3A_217] : memref<100096x16xf32, #tpu.memory_space<hbm>> -> memref<100096x16xf32, #tpu.memory_space<hbm>>
      tpu.enqueue_indirect_dma source(%dma_start3A_218 : memref<100096x16xf32, #tpu.memory_space<hbm>>) target(%arg9 : memref<800x16xf32, #tpu.memory_space<vmem>>) offsets(%dma_start3A_215 : memref<800xi32, #tpu.memory_space<vmem>>) semaphore(%arg12 : memref<!tpu.dma_semaphore, #tpu.memory_space<semaphore_mem>>)
      %rem3A_219 = arith.constant 3 : i32
      %rem3A_220 = arith.remsi %mul3A_172, %rem3A_219 : i32
      %dma_wait3A_221 = arith.constant 0 : i32
      %dma_wait3A_222 = arith.constant 0 : i32
      %dma_wait3A_223 = tpu.memref_slice %arg7[%rem3A_220, %dma_wait3A_221, %dma_wait3A_222] : memref<3x2x800xi32, #tpu.memory_space<vmem>> -> memref<1x1x800xi32, #tpu.memory_space<vmem>>
      %dma_wait3A_224 = tpu.memref_squeeze %dma_wait3A_223 : memref<1x1x800xi32, #tpu.memory_space<vmem>> -> memref<800xi32, #tpu.memory_space<vmem>>
      %dma_wait3A_225 = arith.constant 0 : i32
      %dma_wait3A_226 = arith.constant 0 : i32
      %dma_wait3A_227 = tpu.memref_slice %arg2[%dma_wait3A_225, %dma_wait3A_226] : memref<100096x16xf32, #tpu.memory_space<hbm>> -> memref<100096x16xf32, #tpu.memory_space<hbm>>
      tpu.wait_indirect_dma semaphore(%arg11 : memref<!tpu.dma_semaphore, #tpu.memory_space<semaphore_mem>>) src(%dma_wait3A_227 : memref<100096x16xf32, #tpu.memory_space<hbm>>) dst(%arg8 : memref<800x16xf32, #tpu.memory_space<vmem>>)
      %rem3A_228 = arith.constant 3 : i32
      %rem3A_229 = arith.remsi %mul3A_172, %rem3A_228 : i32
      %run_scoped3A_230 = arith.constant 1 : i32
      "tpu.region"() ({
        %run_scoped3A_265 = tpu.sem_alloc : memref<!tpu.dma_semaphore, #tpu.memory_space<semaphore_mem>>
        %dma_start3A_266 = arith.constant 0 : i32
        %dma_start3A_267 = tpu.memref_slice %arg7[%rem3A_229, %run_scoped3A_230, %dma_start3A_266] : memref<3x2x800xi32, #tpu.memory_space<vmem>> -> memref<1x1x800xi32, #tpu.memory_space<vmem>>
        %dma_start3A_268 = tpu.memref_squeeze %dma_start3A_267 : memref<1x1x800xi32, #tpu.memory_space<vmem>> -> memref<800xi32, #tpu.memory_space<vmem>>
        %dma_start3A_269 = arith.constant 0 : i32
        %dma_start3A_270 = arith.constant 0 : i32
        %dma_start3A_271 = tpu.memref_slice %arg6[%dma_start3A_269, %dma_start3A_270] : memref<100096x16xf32, #tpu.memory_space<vmem_shared>> -> memref<100096x16xf32, #tpu.memory_space<vmem_shared>>
        tpu.enqueue_indirect_dma source(%arg8 : memref<800x16xf32, #tpu.memory_space<vmem>>) target(%dma_start3A_271 : memref<100096x16xf32, #tpu.memory_space<vmem_shared>>) offsets(%dma_start3A_268 : memref<800xi32, #tpu.memory_space<vmem>>) semaphore(%run_scoped3A_265 : memref<!tpu.dma_semaphore, #tpu.memory_space<semaphore_mem>>) {add = true}
        %dma_wait3A_272 = arith.constant 0 : i32
        %dma_wait3A_273 = tpu.memref_slice %arg7[%rem3A_229, %run_scoped3A_230, %dma_wait3A_272] : memref<3x2x800xi32, #tpu.memory_space<vmem>> -> memref<1x1x800xi32, #tpu.memory_space<vmem>>
        %dma_wait3A_274 = tpu.memref_squeeze %dma_wait3A_273 : memref<1x1x800xi32, #tpu.memory_space<vmem>> -> memref<800xi32, #tpu.memory_space<vmem>>
        %dma_wait3A_275 = arith.constant 0 : i32
        %dma_wait3A_276 = arith.constant 0 : i32
        %dma_wait3A_277 = tpu.memref_slice %arg6[%dma_wait3A_275, %dma_wait3A_276] : memref<100096x16xf32, #tpu.memory_space<vmem_shared>> -> memref<100096x16xf32, #tpu.memory_space<vmem_shared>>
        tpu.wait_indirect_dma semaphore(%run_scoped3A_265 : memref<!tpu.dma_semaphore, #tpu.memory_space<semaphore_mem>>) src(%arg8 : memref<800x16xf32, #tpu.memory_space<vmem>>) dst(%dma_wait3A_277 : memref<100096x16xf32, #tpu.memory_space<vmem_shared>>)
        tpu.yield
      }) : () -> ()
      %add3A_231 = arith.constant 3 : i32
      %add3A_232 = arith.addi %mul3A_172, %add3A_231 : i32
      %lt3A = arith.constant 125 : i32
      %lt3A_233 = arith.cmpi slt, %add3A_232, %lt3A : i32
      %convert_element_type3A = arith.extui %lt3A_233 : i1 to i32
      %cond3A = arith.constant 0 : i32
      %cond3A_234 = arith.cmpi ne, %convert_element_type3A, %cond3A : i32
      scf.if %cond3A_234 {
        %add3A_265 = arith.constant 3 : i32
        %add3A_266 = arith.addi %mul3A_172, %add3A_265 : i32
        %rem3A_267 = arith.constant 3 : i32
        %rem3A_268 = arith.remsi %add3A_266, %rem3A_267 : i32
        %mul3A_269 = arith.constant 800 : i32
        %mul3A_270 = arith.muli %add3A_266, %mul3A_269 : i32
        %add3A_271 = arith.addi %mul3A_4, %mul3A_270 : i32
        %dma_start3A_272 = arith.constant 0 : i32
        %dma_start3A_273 = arith.constant 0 : i32
        %dma_start3A_274 = arith.constant 0 : i32
        %dma_start3A_275 = tpu.memref_slice %arg7[%rem3A_268, %dma_start3A_273, %dma_start3A_274] : memref<3x2x800xi32, #tpu.memory_space<vmem>> -> memref<1x1x800xi32, #tpu.memory_space<vmem>>
        %dma_start3A_276 = tpu.memref_squeeze %dma_start3A_275 : memref<1x1x800xi32, #tpu.memory_space<vmem>> -> memref<800xi32, #tpu.memory_space<vmem>>
        %dma_start3A_277 = tpu.memref_slice %arg3[%dma_start3A_272, %add3A_271] : memref<2x3200000xi32, #tpu.memory_space<hbm>> -> memref<1x800xi32, #tpu.memory_space<hbm>>
        %dma_start3A_278 = tpu.memref_squeeze %dma_start3A_277 : memref<1x800xi32, #tpu.memory_space<hbm>> -> memref<800xi32, #tpu.memory_space<hbm>>
        %dma_start3A_279 = tpu.memref_slice %arg10[%rem3A_268] : memref<3x!tpu.dma_semaphore, #tpu.memory_space<semaphore_mem>> -> memref<1x!tpu.dma_semaphore, #tpu.memory_space<semaphore_mem>>
        %dma_start3A_280 = tpu.memref_squeeze %dma_start3A_279 : memref<1x!tpu.dma_semaphore, #tpu.memory_space<semaphore_mem>> -> memref<!tpu.dma_semaphore, #tpu.memory_space<semaphore_mem>>
        %dma_start3A_281 = arith.constant 0 : i32
        %dma_start3A_282 = tpu.memref_slice %arg7[%rem3A_268, %dma_start3A_273, %dma_start3A_281] : memref<3x2x800xi32, #tpu.memory_space<vmem>> -> memref<1x1x800xi32, #tpu.memory_space<vmem>>
        %dma_start3A_283 = tpu.memref_squeeze %dma_start3A_282 : memref<1x1x800xi32, #tpu.memory_space<vmem>> -> memref<800xi32, #tpu.memory_space<vmem>>
        %dma_start3A_284 = tpu.memref_slice %arg3[%dma_start3A_272, %add3A_271] : memref<2x3200000xi32, #tpu.memory_space<hbm>> -> memref<1x800xi32, #tpu.memory_space<hbm>>
        %dma_start3A_285 = tpu.memref_squeeze %dma_start3A_284 : memref<1x800xi32, #tpu.memory_space<hbm>> -> memref<800xi32, #tpu.memory_space<hbm>>
        tpu.enqueue_dma source(%dma_start3A_285 : memref<800xi32, #tpu.memory_space<hbm>>) target(%dma_start3A_283 : memref<800xi32, #tpu.memory_space<vmem>>) target_semaphore(%dma_start3A_280 : memref<!tpu.dma_semaphore, #tpu.memory_space<semaphore_mem>>)
        %mul3A_286 = arith.constant 800 : i32
        %mul3A_287 = arith.muli %add3A_266, %mul3A_286 : i32
        %add3A_288 = arith.addi %mul3A_4, %mul3A_287 : i32
        %dma_start3A_289 = arith.constant 1 : i32
        %dma_start3A_290 = arith.constant 1 : i32
        %dma_start3A_291 = arith.constant 0 : i32
        %dma_start3A_292 = tpu.memref_slice %arg7[%rem3A_268, %dma_start3A_290, %dma_start3A_291] : memref<3x2x800xi32, #tpu.memory_space<vmem>> -> memref<1x1x800xi32, #tpu.memory_space<vmem>>
        %dma_start3A_293 = tpu.memref_squeeze %dma_start3A_292 : memref<1x1x800xi32, #tpu.memory_space<vmem>> -> memref<800xi32, #tpu.memory_space<vmem>>
        %dma_start3A_294 = tpu.memref_slice %arg3[%dma_start3A_289, %add3A_288] : memref<2x3200000xi32, #tpu.memory_space<hbm>> -> memref<1x800xi32, #tpu.memory_space<hbm>>
        %dma_start3A_295 = tpu.memref_squeeze %dma_start3A_294 : memref<1x800xi32, #tpu.memory_space<hbm>> -> memref<800xi32, #tpu.memory_space<hbm>>
        %dma_start3A_296 = tpu.memref_slice %arg10[%rem3A_268] : memref<3x!tpu.dma_semaphore, #tpu.memory_space<semaphore_mem>> -> memref<1x!tpu.dma_semaphore, #tpu.memory_space<semaphore_mem>>
        %dma_start3A_297 = tpu.memref_squeeze %dma_start3A_296 : memref<1x!tpu.dma_semaphore, #tpu.memory_space<semaphore_mem>> -> memref<!tpu.dma_semaphore, #tpu.memory_space<semaphore_mem>>
        %dma_start3A_298 = arith.constant 0 : i32
        %dma_start3A_299 = tpu.memref_slice %arg7[%rem3A_268, %dma_start3A_290, %dma_start3A_298] : memref<3x2x800xi32, #tpu.memory_space<vmem>> -> memref<1x1x800xi32, #tpu.memory_space<vmem>>
        %dma_start3A_300 = tpu.memref_squeeze %dma_start3A_299 : memref<1x1x800xi32, #tpu.memory_space<vmem>> -> memref<800xi32, #tpu.memory_space<vmem>>
        %dma_start3A_301 = tpu.memref_slice %arg3[%dma_start3A_289, %add3A_288] : memref<2x3200000xi32, #tpu.memory_space<hbm>> -> memref<1x800xi32, #tpu.memory_space<hbm>>
        %dma_start3A_302 = tpu.memref_squeeze %dma_start3A_301 : memref<1x800xi32, #tpu.memory_space<hbm>> -> memref<800xi32, #tpu.memory_space<hbm>>
        tpu.enqueue_dma source(%dma_start3A_302 : memref<800xi32, #tpu.memory_space<hbm>>) target(%dma_start3A_300 : memref<800xi32, #tpu.memory_space<vmem>>) target_semaphore(%dma_start3A_297 : memref<!tpu.dma_semaphore, #tpu.memory_space<semaphore_mem>>)
      } else {
      }
      %add3A_235 = arith.constant 2 : i32
      %add3A_236 = arith.addi %mul3A_172, %add3A_235 : i32
      %lt3A_237 = arith.constant 125 : i32
      %lt3A_238 = arith.cmpi slt, %add3A_236, %lt3A_237 : i32
      %convert_element_type3A_239 = arith.extui %lt3A_238 : i1 to i32
      %cond3A_240 = arith.constant 0 : i32
      %cond3A_241 = arith.cmpi ne, %convert_element_type3A_239, %cond3A_240 : i32
      scf.if %cond3A_241 {
        %add3A_265 = arith.constant 2 : i32
        %add3A_266 = arith.addi %mul3A_172, %add3A_265 : i32
        %rem3A_267 = arith.constant 3 : i32
        %rem3A_268 = arith.remsi %add3A_266, %rem3A_267 : i32
        %dma_wait3A_269 = arith.constant 0 : i32
        %dma_wait3A_270 = arith.constant 0 : i32
        %dma_wait3A_271 = arith.constant 0 : i32
        %dma_wait3A_272 = tpu.memref_slice %arg7[%rem3A_268, %dma_wait3A_270, %dma_wait3A_271] : memref<3x2x800xi32, #tpu.memory_space<vmem>> -> memref<1x1x800xi32, #tpu.memory_space<vmem>>
        %dma_wait3A_273 = tpu.memref_squeeze %dma_wait3A_272 : memref<1x1x800xi32, #tpu.memory_space<vmem>> -> memref<800xi32, #tpu.memory_space<vmem>>
        %dma_wait3A_274 = arith.constant 0 : i32
        %dma_wait3A_275 = tpu.memref_slice %arg3[%dma_wait3A_269, %dma_wait3A_274] : memref<2x3200000xi32, #tpu.memory_space<hbm>> -> memref<1x800xi32, #tpu.memory_space<hbm>>
        %dma_wait3A_276 = tpu.memref_squeeze %dma_wait3A_275 : memref<1x800xi32, #tpu.memory_space<hbm>> -> memref<800xi32, #tpu.memory_space<hbm>>
        %dma_wait3A_277 = tpu.memref_slice %arg10[%rem3A_268] : memref<3x!tpu.dma_semaphore, #tpu.memory_space<semaphore_mem>> -> memref<1x!tpu.dma_semaphore, #tpu.memory_space<semaphore_mem>>
        %dma_wait3A_278 = tpu.memref_squeeze %dma_wait3A_277 : memref<1x!tpu.dma_semaphore, #tpu.memory_space<semaphore_mem>> -> memref<!tpu.dma_semaphore, #tpu.memory_space<semaphore_mem>>
        %dma_wait3A_279 = arith.constant 0 : i32
        %dma_wait3A_280 = tpu.memref_slice %arg7[%rem3A_268, %dma_wait3A_270, %dma_wait3A_279] : memref<3x2x800xi32, #tpu.memory_space<vmem>> -> memref<1x1x800xi32, #tpu.memory_space<vmem>>
        %dma_wait3A_281 = tpu.memref_squeeze %dma_wait3A_280 : memref<1x1x800xi32, #tpu.memory_space<vmem>> -> memref<800xi32, #tpu.memory_space<vmem>>
        %dma_wait3A_282 = arith.constant 0 : i32
        %dma_wait3A_283 = tpu.memref_slice %arg3[%dma_wait3A_269, %dma_wait3A_282] : memref<2x3200000xi32, #tpu.memory_space<hbm>> -> memref<1x800xi32, #tpu.memory_space<hbm>>
        %dma_wait3A_284 = tpu.memref_squeeze %dma_wait3A_283 : memref<1x800xi32, #tpu.memory_space<hbm>> -> memref<800xi32, #tpu.memory_space<hbm>>
        tpu.wait_dma2 semaphore(%dma_wait3A_278 : memref<!tpu.dma_semaphore, #tpu.memory_space<semaphore_mem>>) src(%dma_wait3A_284 : memref<800xi32, #tpu.memory_space<hbm>>) dst(%dma_wait3A_281 : memref<800xi32, #tpu.memory_space<vmem>>)
        %dma_wait3A_285 = arith.constant 1 : i32
        %dma_wait3A_286 = arith.constant 1 : i32
        %dma_wait3A_287 = arith.constant 0 : i32
        %dma_wait3A_288 = tpu.memref_slice %arg7[%rem3A_268, %dma_wait3A_286, %dma_wait3A_287] : memref<3x2x800xi32, #tpu.memory_space<vmem>> -> memref<1x1x800xi32, #tpu.memory_space<vmem>>
        %dma_wait3A_289 = tpu.memref_squeeze %dma_wait3A_288 : memref<1x1x800xi32, #tpu.memory_space<vmem>> -> memref<800xi32, #tpu.memory_space<vmem>>
        %dma_wait3A_290 = arith.constant 0 : i32
        %dma_wait3A_291 = tpu.memref_slice %arg3[%dma_wait3A_285, %dma_wait3A_290] : memref<2x3200000xi32, #tpu.memory_space<hbm>> -> memref<1x800xi32, #tpu.memory_space<hbm>>
        %dma_wait3A_292 = tpu.memref_squeeze %dma_wait3A_291 : memref<1x800xi32, #tpu.memory_space<hbm>> -> memref<800xi32, #tpu.memory_space<hbm>>
        %dma_wait3A_293 = tpu.memref_slice %arg10[%rem3A_268] : memref<3x!tpu.dma_semaphore, #tpu.memory_space<semaphore_mem>> -> memref<1x!tpu.dma_semaphore, #tpu.memory_space<semaphore_mem>>
        %dma_wait3A_294 = tpu.memref_squeeze %dma_wait3A_293 : memref<1x!tpu.dma_semaphore, #tpu.memory_space<semaphore_mem>> -> memref<!tpu.dma_semaphore, #tpu.memory_space<semaphore_mem>>
        %dma_wait3A_295 = arith.constant 0 : i32
        %dma_wait3A_296 = tpu.memref_slice %arg7[%rem3A_268, %dma_wait3A_286, %dma_wait3A_295] : memref<3x2x800xi32, #tpu.memory_space<vmem>> -> memref<1x1x800xi32, #tpu.memory_space<vmem>>
        %dma_wait3A_297 = tpu.memref_squeeze %dma_wait3A_296 : memref<1x1x800xi32, #tpu.memory_space<vmem>> -> memref<800xi32, #tpu.memory_space<vmem>>
        %dma_wait3A_298 = arith.constant 0 : i32
        %dma_wait3A_299 = tpu.memref_slice %arg3[%dma_wait3A_285, %dma_wait3A_298] : memref<2x3200000xi32, #tpu.memory_space<hbm>> -> memref<1x800xi32, #tpu.memory_space<hbm>>
        %dma_wait3A_300 = tpu.memref_squeeze %dma_wait3A_299 : memref<1x800xi32, #tpu.memory_space<hbm>> -> memref<800xi32, #tpu.memory_space<hbm>>
        tpu.wait_dma2 semaphore(%dma_wait3A_294 : memref<!tpu.dma_semaphore, #tpu.memory_space<semaphore_mem>>) src(%dma_wait3A_300 : memref<800xi32, #tpu.memory_space<hbm>>) dst(%dma_wait3A_297 : memref<800xi32, #tpu.memory_space<vmem>>)
        %add3A_301 = arith.constant 2 : i32
        %add3A_302 = arith.addi %mul3A_172, %add3A_301 : i32
        %rem3A_303 = arith.constant 3 : i32
        %rem3A_304 = arith.remsi %add3A_302, %rem3A_303 : i32
        %dma_start3A_305 = arith.constant 0 : i32
        %dma_start3A_306 = arith.constant 0 : i32
        %dma_start3A_307 = tpu.memref_slice %arg7[%rem3A_304, %dma_start3A_305, %dma_start3A_306] : memref<3x2x800xi32, #tpu.memory_space<vmem>> -> memref<1x1x800xi32, #tpu.memory_space<vmem>>
        %dma_start3A_308 = tpu.memref_squeeze %dma_start3A_307 : memref<1x1x800xi32, #tpu.memory_space<vmem>> -> memref<800xi32, #tpu.memory_space<vmem>>
        %dma_start3A_309 = arith.constant 0 : i32
        %dma_start3A_310 = arith.constant 0 : i32
        %dma_start3A_311 = tpu.memref_slice %arg2[%dma_start3A_309, %dma_start3A_310] : memref<100096x16xf32, #tpu.memory_space<hbm>> -> memref<100096x16xf32, #tpu.memory_space<hbm>>
        tpu.enqueue_indirect_dma source(%dma_start3A_311 : memref<100096x16xf32, #tpu.memory_space<hbm>>) target(%arg8 : memref<800x16xf32, #tpu.memory_space<vmem>>) offsets(%dma_start3A_308 : memref<800xi32, #tpu.memory_space<vmem>>) semaphore(%arg11 : memref<!tpu.dma_semaphore, #tpu.memory_space<semaphore_mem>>)
      } else {
      }
      %add3A_242 = arith.constant 1 : i32
      %add3A_243 = arith.addi %mul3A_172, %add3A_242 : i32
      %rem3A_244 = arith.constant 3 : i32
      %rem3A_245 = arith.remsi %add3A_243, %rem3A_244 : i32
      %dma_wait3A_246 = arith.constant 0 : i32
      %dma_wait3A_247 = arith.constant 0 : i32
      %dma_wait3A_248 = tpu.memref_slice %arg7[%rem3A_245, %dma_wait3A_246, %dma_wait3A_247] : memref<3x2x800xi32, #tpu.memory_space<vmem>> -> memref<1x1x800xi32, #tpu.memory_space<vmem>>
      %dma_wait3A_249 = tpu.memref_squeeze %dma_wait3A_248 : memref<1x1x800xi32, #tpu.memory_space<vmem>> -> memref<800xi32, #tpu.memory_space<vmem>>
      %dma_wait3A_250 = arith.constant 0 : i32
      %dma_wait3A_251 = arith.constant 0 : i32
      %dma_wait3A_252 = tpu.memref_slice %arg2[%dma_wait3A_250, %dma_wait3A_251] : memref<100096x16xf32, #tpu.memory_space<hbm>> -> memref<100096x16xf32, #tpu.memory_space<hbm>>
      tpu.wait_indirect_dma semaphore(%arg12 : memref<!tpu.dma_semaphore, #tpu.memory_space<semaphore_mem>>) src(%dma_wait3A_252 : memref<100096x16xf32, #tpu.memory_space<hbm>>) dst(%arg9 : memref<800x16xf32, #tpu.memory_space<vmem>>)
      %add3A_253 = arith.constant 1 : i32
      %add3A_254 = arith.addi %mul3A_172, %add3A_253 : i32
      %rem3A_255 = arith.constant 3 : i32
      %rem3A_256 = arith.remsi %add3A_254, %rem3A_255 : i32
      %run_scoped3A_257 = arith.constant 1 : i32
      "tpu.region"() ({
        %run_scoped3A_265 = tpu.sem_alloc : memref<!tpu.dma_semaphore, #tpu.memory_space<semaphore_mem>>
        %dma_start3A_266 = arith.constant 0 : i32
        %dma_start3A_267 = tpu.memref_slice %arg7[%rem3A_256, %run_scoped3A_257, %dma_start3A_266] : memref<3x2x800xi32, #tpu.memory_space<vmem>> -> memref<1x1x800xi32, #tpu.memory_space<vmem>>
        %dma_start3A_268 = tpu.memref_squeeze %dma_start3A_267 : memref<1x1x800xi32, #tpu.memory_space<vmem>> -> memref<800xi32, #tpu.memory_space<vmem>>
        %dma_start3A_269 = arith.constant 0 : i32
        %dma_start3A_270 = arith.constant 0 : i32
        %dma_start3A_271 = tpu.memref_slice %arg6[%dma_start3A_269, %dma_start3A_270] : memref<100096x16xf32, #tpu.memory_space<vmem_shared>> -> memref<100096x16xf32, #tpu.memory_space<vmem_shared>>
        tpu.enqueue_indirect_dma source(%arg9 : memref<800x16xf32, #tpu.memory_space<vmem>>) target(%dma_start3A_271 : memref<100096x16xf32, #tpu.memory_space<vmem_shared>>) offsets(%dma_start3A_268 : memref<800xi32, #tpu.memory_space<vmem>>) semaphore(%run_scoped3A_265 : memref<!tpu.dma_semaphore, #tpu.memory_space<semaphore_mem>>) {add = true}
        %dma_wait3A_272 = arith.constant 0 : i32
        %dma_wait3A_273 = tpu.memref_slice %arg7[%rem3A_256, %run_scoped3A_257, %dma_wait3A_272] : memref<3x2x800xi32, #tpu.memory_space<vmem>> -> memref<1x1x800xi32, #tpu.memory_space<vmem>>
        %dma_wait3A_274 = tpu.memref_squeeze %dma_wait3A_273 : memref<1x1x800xi32, #tpu.memory_space<vmem>> -> memref<800xi32, #tpu.memory_space<vmem>>
        %dma_wait3A_275 = arith.constant 0 : i32
        %dma_wait3A_276 = arith.constant 0 : i32
        %dma_wait3A_277 = tpu.memref_slice %arg6[%dma_wait3A_275, %dma_wait3A_276] : memref<100096x16xf32, #tpu.memory_space<vmem_shared>> -> memref<100096x16xf32, #tpu.memory_space<vmem_shared>>
        tpu.wait_indirect_dma semaphore(%run_scoped3A_265 : memref<!tpu.dma_semaphore, #tpu.memory_space<semaphore_mem>>) src(%arg9 : memref<800x16xf32, #tpu.memory_space<vmem>>) dst(%dma_wait3A_277 : memref<100096x16xf32, #tpu.memory_space<vmem_shared>>)
        tpu.yield
      }) : () -> ()
      %add3A_258 = arith.constant 4 : i32
      %add3A_259 = arith.addi %mul3A_172, %add3A_258 : i32
      %lt3A_260 = arith.constant 125 : i32
      %lt3A_261 = arith.cmpi slt, %add3A_259, %lt3A_260 : i32
      %convert_element_type3A_262 = arith.extui %lt3A_261 : i1 to i32
      %cond3A_263 = arith.constant 0 : i32
      %cond3A_264 = arith.cmpi ne, %convert_element_type3A_262, %cond3A_263 : i32
      scf.if %cond3A_264 {
        %add3A_265 = arith.constant 4 : i32
        %add3A_266 = arith.addi %mul3A_172, %add3A_265 : i32
        %rem3A_267 = arith.constant 3 : i32
        %rem3A_268 = arith.remsi %add3A_266, %rem3A_267 : i32
        %mul3A_269 = arith.constant 800 : i32
        %mul3A_270 = arith.muli %add3A_266, %mul3A_269 : i32
        %add3A_271 = arith.addi %mul3A_4, %mul3A_270 : i32
        %dma_start3A_272 = arith.constant 0 : i32
        %dma_start3A_273 = arith.constant 0 : i32
        %dma_start3A_274 = arith.constant 0 : i32
        %dma_start3A_275 = tpu.memref_slice %arg7[%rem3A_268, %dma_start3A_273, %dma_start3A_274] : memref<3x2x800xi32, #tpu.memory_space<vmem>> -> memref<1x1x800xi32, #tpu.memory_space<vmem>>
        %dma_start3A_276 = tpu.memref_squeeze %dma_start3A_275 : memref<1x1x800xi32, #tpu.memory_space<vmem>> -> memref<800xi32, #tpu.memory_space<vmem>>
        %dma_start3A_277 = tpu.memref_slice %arg3[%dma_start3A_272, %add3A_271] : memref<2x3200000xi32, #tpu.memory_space<hbm>> -> memref<1x800xi32, #tpu.memory_space<hbm>>
        %dma_start3A_278 = tpu.memref_squeeze %dma_start3A_277 : memref<1x800xi32, #tpu.memory_space<hbm>> -> memref<800xi32, #tpu.memory_space<hbm>>
        %dma_start3A_279 = tpu.memref_slice %arg10[%rem3A_268] : memref<3x!tpu.dma_semaphore, #tpu.memory_space<semaphore_mem>> -> memref<1x!tpu.dma_semaphore, #tpu.memory_space<semaphore_mem>>
        %dma_start3A_280 = tpu.memref_squeeze %dma_start3A_279 : memref<1x!tpu.dma_semaphore, #tpu.memory_space<semaphore_mem>> -> memref<!tpu.dma_semaphore, #tpu.memory_space<semaphore_mem>>
        %dma_start3A_281 = arith.constant 0 : i32
        %dma_start3A_282 = tpu.memref_slice %arg7[%rem3A_268, %dma_start3A_273, %dma_start3A_281] : memref<3x2x800xi32, #tpu.memory_space<vmem>> -> memref<1x1x800xi32, #tpu.memory_space<vmem>>
        %dma_start3A_283 = tpu.memref_squeeze %dma_start3A_282 : memref<1x1x800xi32, #tpu.memory_space<vmem>> -> memref<800xi32, #tpu.memory_space<vmem>>
        %dma_start3A_284 = tpu.memref_slice %arg3[%dma_start3A_272, %add3A_271] : memref<2x3200000xi32, #tpu.memory_space<hbm>> -> memref<1x800xi32, #tpu.memory_space<hbm>>
        %dma_start3A_285 = tpu.memref_squeeze %dma_start3A_284 : memref<1x800xi32, #tpu.memory_space<hbm>> -> memref<800xi32, #tpu.memory_space<hbm>>
        tpu.enqueue_dma source(%dma_start3A_285 : memref<800xi32, #tpu.memory_space<hbm>>) target(%dma_start3A_283 : memref<800xi32, #tpu.memory_space<vmem>>) target_semaphore(%dma_start3A_280 : memref<!tpu.dma_semaphore, #tpu.memory_space<semaphore_mem>>)
        %mul3A_286 = arith.constant 800 : i32
        %mul3A_287 = arith.muli %add3A_266, %mul3A_286 : i32
        %add3A_288 = arith.addi %mul3A_4, %mul3A_287 : i32
        %dma_start3A_289 = arith.constant 1 : i32
        %dma_start3A_290 = arith.constant 1 : i32
        %dma_start3A_291 = arith.constant 0 : i32
        %dma_start3A_292 = tpu.memref_slice %arg7[%rem3A_268, %dma_start3A_290, %dma_start3A_291] : memref<3x2x800xi32, #tpu.memory_space<vmem>> -> memref<1x1x800xi32, #tpu.memory_space<vmem>>
        %dma_start3A_293 = tpu.memref_squeeze %dma_start3A_292 : memref<1x1x800xi32, #tpu.memory_space<vmem>> -> memref<800xi32, #tpu.memory_space<vmem>>
        %dma_start3A_294 = tpu.memref_slice %arg3[%dma_start3A_289, %add3A_288] : memref<2x3200000xi32, #tpu.memory_space<hbm>> -> memref<1x800xi32, #tpu.memory_space<hbm>>
        %dma_start3A_295 = tpu.memref_squeeze %dma_start3A_294 : memref<1x800xi32, #tpu.memory_space<hbm>> -> memref<800xi32, #tpu.memory_space<hbm>>
        %dma_start3A_296 = tpu.memref_slice %arg10[%rem3A_268] : memref<3x!tpu.dma_semaphore, #tpu.memory_space<semaphore_mem>> -> memref<1x!tpu.dma_semaphore, #tpu.memory_space<semaphore_mem>>
        %dma_start3A_297 = tpu.memref_squeeze %dma_start3A_296 : memref<1x!tpu.dma_semaphore, #tpu.memory_space<semaphore_mem>> -> memref<!tpu.dma_semaphore, #tpu.memory_space<semaphore_mem>>
        %dma_start3A_298 = arith.constant 0 : i32
        %dma_start3A_299 = tpu.memref_slice %arg7[%rem3A_268, %dma_start3A_290, %dma_start3A_298] : memref<3x2x800xi32, #tpu.memory_space<vmem>> -> memref<1x1x800xi32, #tpu.memory_space<vmem>>
        %dma_start3A_300 = tpu.memref_squeeze %dma_start3A_299 : memref<1x1x800xi32, #tpu.memory_space<vmem>> -> memref<800xi32, #tpu.memory_space<vmem>>
        %dma_start3A_301 = tpu.memref_slice %arg3[%dma_start3A_289, %add3A_288] : memref<2x3200000xi32, #tpu.memory_space<hbm>> -> memref<1x800xi32, #tpu.memory_space<hbm>>
        %dma_start3A_302 = tpu.memref_squeeze %dma_start3A_301 : memref<1x800xi32, #tpu.memory_space<hbm>> -> memref<800xi32, #tpu.memory_space<hbm>>
        tpu.enqueue_dma source(%dma_start3A_302 : memref<800xi32, #tpu.memory_space<hbm>>) target(%dma_start3A_300 : memref<800xi32, #tpu.memory_space<vmem>>) target_semaphore(%dma_start3A_297 : memref<!tpu.dma_semaphore, #tpu.memory_space<semaphore_mem>>)
      } else {
      }
    }
    %scan3A_159 = arith.constant 62 : i32
    %dma_wait3A_160 = arith.constant 1 : i32
    %dma_wait3A_161 = arith.constant 0 : i32
    %dma_wait3A_162 = arith.constant 0 : i32
    %dma_wait3A_163 = tpu.memref_slice %arg7[%dma_wait3A_160, %dma_wait3A_161, %dma_wait3A_162] : memref<3x2x800xi32, #tpu.memory_space<vmem>> -> memref<1x1x800xi32, #tpu.memory_space<vmem>>
    %dma_wait3A_164 = tpu.memref_squeeze %dma_wait3A_163 : memref<1x1x800xi32, #tpu.memory_space<vmem>> -> memref<800xi32, #tpu.memory_space<vmem>>
    %dma_wait3A_165 = arith.constant 0 : i32
    %dma_wait3A_166 = arith.constant 0 : i32
    %dma_wait3A_167 = tpu.memref_slice %arg2[%dma_wait3A_165, %dma_wait3A_166] : memref<100096x16xf32, #tpu.memory_space<hbm>> -> memref<100096x16xf32, #tpu.memory_space<hbm>>
    tpu.wait_indirect_dma semaphore(%arg11 : memref<!tpu.dma_semaphore, #tpu.memory_space<semaphore_mem>>) src(%dma_wait3A_167 : memref<100096x16xf32, #tpu.memory_space<hbm>>) dst(%arg8 : memref<800x16xf32, #tpu.memory_space<vmem>>)
    %run_scoped3A = arith.constant 1 : i32
    %run_scoped3A_168 = arith.constant 1 : i32
    "tpu.region"() ({
      %run_scoped3A_170 = tpu.sem_alloc : memref<!tpu.dma_semaphore, #tpu.memory_space<semaphore_mem>>
      %dma_start3A_171 = arith.constant 0 : i32
      %dma_start3A_172 = tpu.memref_slice %arg7[%run_scoped3A, %run_scoped3A_168, %dma_start3A_171] : memref<3x2x800xi32, #tpu.memory_space<vmem>> -> memref<1x1x800xi32, #tpu.memory_space<vmem>>
      %dma_start3A_173 = tpu.memref_squeeze %dma_start3A_172 : memref<1x1x800xi32, #tpu.memory_space<vmem>> -> memref<800xi32, #tpu.memory_space<vmem>>
      %dma_start3A_174 = arith.constant 0 : i32
      %dma_start3A_175 = arith.constant 0 : i32
      %dma_start3A_176 = tpu.memref_slice %arg6[%dma_start3A_174, %dma_start3A_175] : memref<100096x16xf32, #tpu.memory_space<vmem_shared>> -> memref<100096x16xf32, #tpu.memory_space<vmem_shared>>
      tpu.enqueue_indirect_dma source(%arg8 : memref<800x16xf32, #tpu.memory_space<vmem>>) target(%dma_start3A_176 : memref<100096x16xf32, #tpu.memory_space<vmem_shared>>) offsets(%dma_start3A_173 : memref<800xi32, #tpu.memory_space<vmem>>) semaphore(%run_scoped3A_170 : memref<!tpu.dma_semaphore, #tpu.memory_space<semaphore_mem>>) {add = true}
      %dma_wait3A_177 = arith.constant 0 : i32
      %dma_wait3A_178 = tpu.memref_slice %arg7[%run_scoped3A, %run_scoped3A_168, %dma_wait3A_177] : memref<3x2x800xi32, #tpu.memory_space<vmem>> -> memref<1x1x800xi32, #tpu.memory_space<vmem>>
      %dma_wait3A_179 = tpu.memref_squeeze %dma_wait3A_178 : memref<1x1x800xi32, #tpu.memory_space<vmem>> -> memref<800xi32, #tpu.memory_space<vmem>>
      %dma_wait3A_180 = arith.constant 0 : i32
      %dma_wait3A_181 = arith.constant 0 : i32
      %dma_wait3A_182 = tpu.memref_slice %arg6[%dma_wait3A_180, %dma_wait3A_181] : memref<100096x16xf32, #tpu.memory_space<vmem_shared>> -> memref<100096x16xf32, #tpu.memory_space<vmem_shared>>
      tpu.wait_indirect_dma semaphore(%run_scoped3A_170 : memref<!tpu.dma_semaphore, #tpu.memory_space<semaphore_mem>>) src(%arg8 : memref<800x16xf32, #tpu.memory_space<vmem>>) dst(%dma_wait3A_182 : memref<100096x16xf32, #tpu.memory_space<vmem_shared>>)
      tpu.yield
    }) : () -> ()
    %barrier3A_169 = arith.constant 0 : index
    tpu.barrier barrier_id(%barrier3A_169)
    "tpu.region"() ({
      %run_scoped3A_170 = tpu.sem_alloc : memref<!tpu.dma_semaphore, #tpu.memory_space<semaphore_mem>>
      %dma_start3A_171 = arith.constant 0 : i32
      %dma_start3A_172 = tpu.memref_slice %arg5[%arg0, %mul3A_0, %dma_start3A_171] : memref<2x100096x16xf32, #tpu.memory_space<hbm>> -> memref<1x6256x16xf32, #tpu.memory_space<hbm>>
      %dma_start3A_173 = tpu.memref_squeeze %dma_start3A_172 : memref<1x6256x16xf32, #tpu.memory_space<hbm>> -> memref<6256x16xf32, #tpu.memory_space<hbm>>
      %dma_start3A_174 = arith.constant 0 : i32
      %dma_start3A_175 = tpu.memref_slice %arg6[%mul3A_0, %dma_start3A_174] : memref<100096x16xf32, #tpu.memory_space<vmem_shared>> -> memref<6256x16xf32, #tpu.memory_space<vmem_shared>>
      tpu.enqueue_dma source(%dma_start3A_175 : memref<6256x16xf32, #tpu.memory_space<vmem_shared>>) target(%dma_start3A_173 : memref<6256x16xf32, #tpu.memory_space<hbm>>) target_semaphore(%run_scoped3A_170 : memref<!tpu.dma_semaphore, #tpu.memory_space<semaphore_mem>>)
      %dma_wait3A_176 = arith.constant 0 : i32
      %dma_wait3A_177 = tpu.memref_slice %arg5[%arg0, %mul3A_0, %dma_wait3A_176] : memref<2x100096x16xf32, #tpu.memory_space<hbm>> -> memref<1x6256x16xf32, #tpu.memory_space<hbm>>
      %dma_wait3A_178 = tpu.memref_squeeze %dma_wait3A_177 : memref<1x6256x16xf32, #tpu.memory_space<hbm>> -> memref<6256x16xf32, #tpu.memory_space<hbm>>
      %dma_wait3A_179 = arith.constant 0 : i32
      %dma_wait3A_180 = tpu.memref_slice %arg6[%mul3A_0, %dma_wait3A_179] : memref<100096x16xf32, #tpu.memory_space<vmem_shared>> -> memref<6256x16xf32, #tpu.memory_space<vmem_shared>>
      tpu.wait_dma2 semaphore(%run_scoped3A_170 : memref<!tpu.dma_semaphore, #tpu.memory_space<semaphore_mem>>) src(%dma_wait3A_180 : memref<6256x16xf32, #tpu.memory_space<vmem_shared>>) dst(%dma_wait3A_178 : memref<6256x16xf32, #tpu.memory_space<hbm>>)
      tpu.yield
    }) : () -> ()
    return
  }
}

#map = affine_map<(d0, d1) -> (0, 0)>
#map1 = affine_map<(d0, d1) -> (0, 0, 0)>
module attributes {stable_mosaic.version = 14 : i64} {
  func.func @seg(%arg0: i32, %arg1: i32, %arg2: memref<100096x16xf32, #tpu.memory_space<hbm>>, %arg3: memref<2x3200000xi32, #tpu.memory_space<hbm>>, %arg4: memref<100096x16xf32, #tpu.memory_space<hbm>>, %arg5: memref<2x100096x16xf32, #tpu.memory_space<hbm>>, %arg6: memref<100096x16xf32, #tpu.memory_space<vmem_shared>>, %arg7: memref<3x2x800xi32, #tpu.memory_space<vmem>>, %arg8: memref<800x16xf32, #tpu.memory_space<vmem>>, %arg9: memref<800x16xf32, #tpu.memory_space<vmem>>, %arg10: memref<3x!tpu.dma_semaphore, #tpu.memory_space<semaphore_mem>>, %arg11: memref<!tpu.dma_semaphore, #tpu.memory_space<semaphore_mem>>, %arg12: memref<!tpu.dma_semaphore, #tpu.memory_space<semaphore_mem>>) attributes {dimension_semantics = [#tpu.dimension_semantics<core_parallel>, #tpu.dimension_semantics<subcore_parallel>], iteration_bounds = array<i64: 2, 16>, scalar_prefetch = 0 : i64, scratch_operands = 7 : i64, tpu.core_type = #tpu.core_type<sc_vector_subcore>, window_params = [{transform_indices = #map}, {transform_indices = #map}, {transform_indices = #map}, {transform_indices = #map1}]} {
    %mul3A = arith.constant 6256 : i32
    %mul3A_0 = arith.muli %arg1, %mul3A : i32
    "tpu.region"() ({
      %run_scoped3A_170 = tpu.sem_alloc : memref<!tpu.dma_semaphore, #tpu.memory_space<semaphore_mem>>
      %dma_start3A_171 = arith.constant 0 : i32
      %dma_start3A_172 = tpu.memref_slice %arg6[%mul3A_0, %dma_start3A_171] : memref<100096x16xf32, #tpu.memory_space<vmem_shared>> -> memref<6256x16xf32, #tpu.memory_space<vmem_shared>>
      %dma_start3A_173 = arith.constant 0 : i32
      %dma_start3A_174 = tpu.memref_slice %arg4[%mul3A_0, %dma_start3A_173] : memref<100096x16xf32, #tpu.memory_space<hbm>> -> memref<6256x16xf32, #tpu.memory_space<hbm>>
      tpu.enqueue_dma source(%dma_start3A_174 : memref<6256x16xf32, #tpu.memory_space<hbm>>) target(%dma_start3A_172 : memref<6256x16xf32, #tpu.memory_space<vmem_shared>>) target_semaphore(%run_scoped3A_170 : memref<!tpu.dma_semaphore, #tpu.memory_space<semaphore_mem>>)
      %dma_wait3A_175 = arith.constant 0 : i32
      %dma_wait3A_176 = tpu.memref_slice %arg6[%mul3A_0, %dma_wait3A_175] : memref<100096x16xf32, #tpu.memory_space<vmem_shared>> -> memref<6256x16xf32, #tpu.memory_space<vmem_shared>>
      %dma_wait3A_177 = arith.constant 0 : i32
      %dma_wait3A_178 = tpu.memref_slice %arg4[%mul3A_0, %dma_wait3A_177] : memref<100096x16xf32, #tpu.memory_space<hbm>> -> memref<6256x16xf32, #tpu.memory_space<hbm>>
      tpu.wait_dma2 semaphore(%run_scoped3A_170 : memref<!tpu.dma_semaphore, #tpu.memory_space<semaphore_mem>>) src(%dma_wait3A_178 : memref<6256x16xf32, #tpu.memory_space<hbm>>) dst(%dma_wait3A_176 : memref<6256x16xf32, #tpu.memory_space<vmem_shared>>)
      tpu.yield
    }) : () -> ()
    %barrier3A = arith.constant 0 : index
    tpu.barrier barrier_id(%barrier3A)
    %mul3A_1 = arith.constant 16 : i32
    %mul3A_2 = arith.muli %arg0, %mul3A_1 : i32
    %add3A = arith.addi %mul3A_2, %arg1 : i32
    %mul3A_3 = arith.constant 100000 : i32
    %mul3A_4 = arith.muli %add3A, %mul3A_3 : i32
    %add3A_5 = arith.constant 0 : i32
    %add3A_6 = arith.addi %mul3A_4, %add3A_5 : i32
    %dma_start3A = arith.constant 0 : i32
    %dma_start3A_7 = arith.constant 0 : i32
    %dma_start3A_8 = arith.constant 0 : i32
    %dma_start3A_9 = arith.constant 0 : i32
    %dma_start3A_10 = arith.constant 0 : i32
    %dma_start3A_11 = tpu.memref_slice %arg7[%dma_start3A_7, %dma_start3A_8, %dma_start3A_10] : memref<3x2x800xi32, #tpu.memory_space<vmem>> -> memref<1x1x800xi32, #tpu.memory_space<vmem>>
    %dma_start3A_12 = tpu.memref_squeeze %dma_start3A_11 : memref<1x1x800xi32, #tpu.memory_space<vmem>> -> memref<800xi32, #tpu.memory_space<vmem>>
    %dma_start3A_13 = tpu.memref_slice %arg3[%dma_start3A, %add3A_6] : memref<2x3200000xi32, #tpu.memory_space<hbm>> -> memref<1x800xi32, #tpu.memory_space<hbm>>
    %dma_start3A_14 = tpu.memref_squeeze %dma_start3A_13 : memref<1x800xi32, #tpu.memory_space<hbm>> -> memref<800xi32, #tpu.memory_space<hbm>>
    %dma_start3A_15 = tpu.memref_slice %arg10[%dma_start3A_9] : memref<3x!tpu.dma_semaphore, #tpu.memory_space<semaphore_mem>> -> memref<1x!tpu.dma_semaphore, #tpu.memory_space<semaphore_mem>>
    %dma_start3A_16 = tpu.memref_squeeze %dma_start3A_15 : memref<1x!tpu.dma_semaphore, #tpu.memory_space<semaphore_mem>> -> memref<!tpu.dma_semaphore, #tpu.memory_space<semaphore_mem>>
    %dma_start3A_17 = arith.constant 0 : i32
    %dma_start3A_18 = tpu.memref_slice %arg7[%dma_start3A_7, %dma_start3A_8, %dma_start3A_17] : memref<3x2x800xi32, #tpu.memory_space<vmem>> -> memref<1x1x800xi32, #tpu.memory_space<vmem>>
    %dma_start3A_19 = tpu.memref_squeeze %dma_start3A_18 : memref<1x1x800xi32, #tpu.memory_space<vmem>> -> memref<800xi32, #tpu.memory_space<vmem>>
    %dma_start3A_20 = tpu.memref_slice %arg3[%dma_start3A, %add3A_6] : memref<2x3200000xi32, #tpu.memory_space<hbm>> -> memref<1x800xi32, #tpu.memory_space<hbm>>
    %dma_start3A_21 = tpu.memref_squeeze %dma_start3A_20 : memref<1x800xi32, #tpu.memory_space<hbm>> -> memref<800xi32, #tpu.memory_space<hbm>>
    tpu.enqueue_dma source(%dma_start3A_21 : memref<800xi32, #tpu.memory_space<hbm>>) target(%dma_start3A_19 : memref<800xi32, #tpu.memory_space<vmem>>) target_semaphore(%dma_start3A_16 : memref<!tpu.dma_semaphore, #tpu.memory_space<semaphore_mem>>)
    %add3A_22 = arith.constant 0 : i32
    %add3A_23 = arith.addi %mul3A_4, %add3A_22 : i32
    %dma_start3A_24 = arith.constant 1 : i32
    %dma_start3A_25 = arith.constant 0 : i32
    %dma_start3A_26 = arith.constant 1 : i32
    %dma_start3A_27 = arith.constant 0 : i32
    %dma_start3A_28 = arith.constant 0 : i32
    %dma_start3A_29 = tpu.memref_slice %arg7[%dma_start3A_25, %dma_start3A_26, %dma_start3A_28] : memref<3x2x800xi32, #tpu.memory_space<vmem>> -> memref<1x1x800xi32, #tpu.memory_space<vmem>>
    %dma_start3A_30 = tpu.memref_squeeze %dma_start3A_29 : memref<1x1x800xi32, #tpu.memory_space<vmem>> -> memref<800xi32, #tpu.memory_space<vmem>>
    %dma_start3A_31 = tpu.memref_slice %arg3[%dma_start3A_24, %add3A_23] : memref<2x3200000xi32, #tpu.memory_space<hbm>> -> memref<1x800xi32, #tpu.memory_space<hbm>>
    %dma_start3A_32 = tpu.memref_squeeze %dma_start3A_31 : memref<1x800xi32, #tpu.memory_space<hbm>> -> memref<800xi32, #tpu.memory_space<hbm>>
    %dma_start3A_33 = tpu.memref_slice %arg10[%dma_start3A_27] : memref<3x!tpu.dma_semaphore, #tpu.memory_space<semaphore_mem>> -> memref<1x!tpu.dma_semaphore, #tpu.memory_space<semaphore_mem>>
    %dma_start3A_34 = tpu.memref_squeeze %dma_start3A_33 : memref<1x!tpu.dma_semaphore, #tpu.memory_space<semaphore_mem>> -> memref<!tpu.dma_semaphore, #tpu.memory_space<semaphore_mem>>
    %dma_start3A_35 = arith.constant 0 : i32
    %dma_start3A_36 = tpu.memref_slice %arg7[%dma_start3A_25, %dma_start3A_26, %dma_start3A_35] : memref<3x2x800xi32, #tpu.memory_space<vmem>> -> memref<1x1x800xi32, #tpu.memory_space<vmem>>
    %dma_start3A_37 = tpu.memref_squeeze %dma_start3A_36 : memref<1x1x800xi32, #tpu.memory_space<vmem>> -> memref<800xi32, #tpu.memory_space<vmem>>
    %dma_start3A_38 = tpu.memref_slice %arg3[%dma_start3A_24, %add3A_23] : memref<2x3200000xi32, #tpu.memory_space<hbm>> -> memref<1x800xi32, #tpu.memory_space<hbm>>
    %dma_start3A_39 = tpu.memref_squeeze %dma_start3A_38 : memref<1x800xi32, #tpu.memory_space<hbm>> -> memref<800xi32, #tpu.memory_space<hbm>>
    tpu.enqueue_dma source(%dma_start3A_39 : memref<800xi32, #tpu.memory_space<hbm>>) target(%dma_start3A_37 : memref<800xi32, #tpu.memory_space<vmem>>) target_semaphore(%dma_start3A_34 : memref<!tpu.dma_semaphore, #tpu.memory_space<semaphore_mem>>)
    %add3A_40 = arith.constant 800 : i32
    %add3A_41 = arith.addi %mul3A_4, %add3A_40 : i32
    %dma_start3A_42 = arith.constant 0 : i32
    %dma_start3A_43 = arith.constant 1 : i32
    %dma_start3A_44 = arith.constant 0 : i32
    %dma_start3A_45 = arith.constant 1 : i32
    %dma_start3A_46 = arith.constant 0 : i32
    %dma_start3A_47 = tpu.memref_slice %arg7[%dma_start3A_43, %dma_start3A_44, %dma_start3A_46] : memref<3x2x800xi32, #tpu.memory_space<vmem>> -> memref<1x1x800xi32, #tpu.memory_space<vmem>>
    %dma_start3A_48 = tpu.memref_squeeze %dma_start3A_47 : memref<1x1x800xi32, #tpu.memory_space<vmem>> -> memref<800xi32, #tpu.memory_space<vmem>>
    %dma_start3A_49 = tpu.memref_slice %arg3[%dma_start3A_42, %add3A_41] : memref<2x3200000xi32, #tpu.memory_space<hbm>> -> memref<1x800xi32, #tpu.memory_space<hbm>>
    %dma_start3A_50 = tpu.memref_squeeze %dma_start3A_49 : memref<1x800xi32, #tpu.memory_space<hbm>> -> memref<800xi32, #tpu.memory_space<hbm>>
    %dma_start3A_51 = tpu.memref_slice %arg10[%dma_start3A_45] : memref<3x!tpu.dma_semaphore, #tpu.memory_space<semaphore_mem>> -> memref<1x!tpu.dma_semaphore, #tpu.memory_space<semaphore_mem>>
    %dma_start3A_52 = tpu.memref_squeeze %dma_start3A_51 : memref<1x!tpu.dma_semaphore, #tpu.memory_space<semaphore_mem>> -> memref<!tpu.dma_semaphore, #tpu.memory_space<semaphore_mem>>
    %dma_start3A_53 = arith.constant 0 : i32
    %dma_start3A_54 = tpu.memref_slice %arg7[%dma_start3A_43, %dma_start3A_44, %dma_start3A_53] : memref<3x2x800xi32, #tpu.memory_space<vmem>> -> memref<1x1x800xi32, #tpu.memory_space<vmem>>
    %dma_start3A_55 = tpu.memref_squeeze %dma_start3A_54 : memref<1x1x800xi32, #tpu.memory_space<vmem>> -> memref<800xi32, #tpu.memory_space<vmem>>
    %dma_start3A_56 = tpu.memref_slice %arg3[%dma_start3A_42, %add3A_41] : memref<2x3200000xi32, #tpu.memory_space<hbm>> -> memref<1x800xi32, #tpu.memory_space<hbm>>
    %dma_start3A_57 = tpu.memref_squeeze %dma_start3A_56 : memref<1x800xi32, #tpu.memory_space<hbm>> -> memref<800xi32, #tpu.memory_space<hbm>>
    tpu.enqueue_dma source(%dma_start3A_57 : memref<800xi32, #tpu.memory_space<hbm>>) target(%dma_start3A_55 : memref<800xi32, #tpu.memory_space<vmem>>) target_semaphore(%dma_start3A_52 : memref<!tpu.dma_semaphore, #tpu.memory_space<semaphore_mem>>)
    %add3A_58 = arith.constant 800 : i32
    %add3A_59 = arith.addi %mul3A_4, %add3A_58 : i32
    %dma_start3A_60 = arith.constant 1 : i32
    %dma_start3A_61 = arith.constant 1 : i32
    %dma_start3A_62 = arith.constant 1 : i32
    %dma_start3A_63 = arith.constant 1 : i32
    %dma_start3A_64 = arith.constant 0 : i32
    %dma_start3A_65 = tpu.memref_slice %arg7[%dma_start3A_61, %dma_start3A_62, %dma_start3A_64] : memref<3x2x800xi32, #tpu.memory_space<vmem>> -> memref<1x1x800xi32, #tpu.memory_space<vmem>>
    %dma_start3A_66 = tpu.memref_squeeze %dma_start3A_65 : memref<1x1x800xi32, #tpu.memory_space<vmem>> -> memref<800xi32, #tpu.memory_space<vmem>>
    %dma_start3A_67 = tpu.memref_slice %arg3[%dma_start3A_60, %add3A_59] : memref<2x3200000xi32, #tpu.memory_space<hbm>> -> memref<1x800xi32, #tpu.memory_space<hbm>>
    %dma_start3A_68 = tpu.memref_squeeze %dma_start3A_67 : memref<1x800xi32, #tpu.memory_space<hbm>> -> memref<800xi32, #tpu.memory_space<hbm>>
    %dma_start3A_69 = tpu.memref_slice %arg10[%dma_start3A_63] : memref<3x!tpu.dma_semaphore, #tpu.memory_space<semaphore_mem>> -> memref<1x!tpu.dma_semaphore, #tpu.memory_space<semaphore_mem>>
    %dma_start3A_70 = tpu.memref_squeeze %dma_start3A_69 : memref<1x!tpu.dma_semaphore, #tpu.memory_space<semaphore_mem>> -> memref<!tpu.dma_semaphore, #tpu.memory_space<semaphore_mem>>
    %dma_start3A_71 = arith.constant 0 : i32
    %dma_start3A_72 = tpu.memref_slice %arg7[%dma_start3A_61, %dma_start3A_62, %dma_start3A_71] : memref<3x2x800xi32, #tpu.memory_space<vmem>> -> memref<1x1x800xi32, #tpu.memory_space<vmem>>
    %dma_start3A_73 = tpu.memref_squeeze %dma_start3A_72 : memref<1x1x800xi32, #tpu.memory_space<vmem>> -> memref<800xi32, #tpu.memory_space<vmem>>
    %dma_start3A_74 = tpu.memref_slice %arg3[%dma_start3A_60, %add3A_59] : memref<2x3200000xi32, #tpu.memory_space<hbm>> -> memref<1x800xi32, #tpu.memory_space<hbm>>
    %dma_start3A_75 = tpu.memref_squeeze %dma_start3A_74 : memref<1x800xi32, #tpu.memory_space<hbm>> -> memref<800xi32, #tpu.memory_space<hbm>>
    tpu.enqueue_dma source(%dma_start3A_75 : memref<800xi32, #tpu.memory_space<hbm>>) target(%dma_start3A_73 : memref<800xi32, #tpu.memory_space<vmem>>) target_semaphore(%dma_start3A_70 : memref<!tpu.dma_semaphore, #tpu.memory_space<semaphore_mem>>)
    %add3A_76 = arith.constant 1600 : i32
    %add3A_77 = arith.addi %mul3A_4, %add3A_76 : i32
    %dma_start3A_78 = arith.constant 0 : i32
    %dma_start3A_79 = arith.constant 2 : i32
    %dma_start3A_80 = arith.constant 0 : i32
    %dma_start3A_81 = arith.constant 2 : i32
    %dma_start3A_82 = arith.constant 0 : i32
    %dma_start3A_83 = tpu.memref_slice %arg7[%dma_start3A_79, %dma_start3A_80, %dma_start3A_82] : memref<3x2x800xi32, #tpu.memory_space<vmem>> -> memref<1x1x800xi32, #tpu.memory_space<vmem>>
    %dma_start3A_84 = tpu.memref_squeeze %dma_start3A_83 : memref<1x1x800xi32, #tpu.memory_space<vmem>> -> memref<800xi32, #tpu.memory_space<vmem>>
    %dma_start3A_85 = tpu.memref_slice %arg3[%dma_start3A_78, %add3A_77] : memref<2x3200000xi32, #tpu.memory_space<hbm>> -> memref<1x800xi32, #tpu.memory_space<hbm>>
    %dma_start3A_86 = tpu.memref_squeeze %dma_start3A_85 : memref<1x800xi32, #tpu.memory_space<hbm>> -> memref<800xi32, #tpu.memory_space<hbm>>
    %dma_start3A_87 = tpu.memref_slice %arg10[%dma_start3A_81] : memref<3x!tpu.dma_semaphore, #tpu.memory_space<semaphore_mem>> -> memref<1x!tpu.dma_semaphore, #tpu.memory_space<semaphore_mem>>
    %dma_start3A_88 = tpu.memref_squeeze %dma_start3A_87 : memref<1x!tpu.dma_semaphore, #tpu.memory_space<semaphore_mem>> -> memref<!tpu.dma_semaphore, #tpu.memory_space<semaphore_mem>>
    %dma_start3A_89 = arith.constant 0 : i32
    %dma_start3A_90 = tpu.memref_slice %arg7[%dma_start3A_79, %dma_start3A_80, %dma_start3A_89] : memref<3x2x800xi32, #tpu.memory_space<vmem>> -> memref<1x1x800xi32, #tpu.memory_space<vmem>>
    %dma_start3A_91 = tpu.memref_squeeze %dma_start3A_90 : memref<1x1x800xi32, #tpu.memory_space<vmem>> -> memref<800xi32, #tpu.memory_space<vmem>>
    %dma_start3A_92 = tpu.memref_slice %arg3[%dma_start3A_78, %add3A_77] : memref<2x3200000xi32, #tpu.memory_space<hbm>> -> memref<1x800xi32, #tpu.memory_space<hbm>>
    %dma_start3A_93 = tpu.memref_squeeze %dma_start3A_92 : memref<1x800xi32, #tpu.memory_space<hbm>> -> memref<800xi32, #tpu.memory_space<hbm>>
    tpu.enqueue_dma source(%dma_start3A_93 : memref<800xi32, #tpu.memory_space<hbm>>) target(%dma_start3A_91 : memref<800xi32, #tpu.memory_space<vmem>>) target_semaphore(%dma_start3A_88 : memref<!tpu.dma_semaphore, #tpu.memory_space<semaphore_mem>>)
    %add3A_94 = arith.constant 1600 : i32
    %add3A_95 = arith.addi %mul3A_4, %add3A_94 : i32
    %dma_start3A_96 = arith.constant 1 : i32
    %dma_start3A_97 = arith.constant 2 : i32
    %dma_start3A_98 = arith.constant 1 : i32
    %dma_start3A_99 = arith.constant 2 : i32
    %dma_start3A_100 = arith.constant 0 : i32
    %dma_start3A_101 = tpu.memref_slice %arg7[%dma_start3A_97, %dma_start3A_98, %dma_start3A_100] : memref<3x2x800xi32, #tpu.memory_space<vmem>> -> memref<1x1x800xi32, #tpu.memory_space<vmem>>
    %dma_start3A_102 = tpu.memref_squeeze %dma_start3A_101 : memref<1x1x800xi32, #tpu.memory_space<vmem>> -> memref<800xi32, #tpu.memory_space<vmem>>
    %dma_start3A_103 = tpu.memref_slice %arg3[%dma_start3A_96, %add3A_95] : memref<2x3200000xi32, #tpu.memory_space<hbm>> -> memref<1x800xi32, #tpu.memory_space<hbm>>
    %dma_start3A_104 = tpu.memref_squeeze %dma_start3A_103 : memref<1x800xi32, #tpu.memory_space<hbm>> -> memref<800xi32, #tpu.memory_space<hbm>>
    %dma_start3A_105 = tpu.memref_slice %arg10[%dma_start3A_99] : memref<3x!tpu.dma_semaphore, #tpu.memory_space<semaphore_mem>> -> memref<1x!tpu.dma_semaphore, #tpu.memory_space<semaphore_mem>>
    %dma_start3A_106 = tpu.memref_squeeze %dma_start3A_105 : memref<1x!tpu.dma_semaphore, #tpu.memory_space<semaphore_mem>> -> memref<!tpu.dma_semaphore, #tpu.memory_space<semaphore_mem>>
    %dma_start3A_107 = arith.constant 0 : i32
    %dma_start3A_108 = tpu.memref_slice %arg7[%dma_start3A_97, %dma_start3A_98, %dma_start3A_107] : memref<3x2x800xi32, #tpu.memory_space<vmem>> -> memref<1x1x800xi32, #tpu.memory_space<vmem>>
    %dma_start3A_109 = tpu.memref_squeeze %dma_start3A_108 : memref<1x1x800xi32, #tpu.memory_space<vmem>> -> memref<800xi32, #tpu.memory_space<vmem>>
    %dma_start3A_110 = tpu.memref_slice %arg3[%dma_start3A_96, %add3A_95] : memref<2x3200000xi32, #tpu.memory_space<hbm>> -> memref<1x800xi32, #tpu.memory_space<hbm>>
    %dma_start3A_111 = tpu.memref_squeeze %dma_start3A_110 : memref<1x800xi32, #tpu.memory_space<hbm>> -> memref<800xi32, #tpu.memory_space<hbm>>
    tpu.enqueue_dma source(%dma_start3A_111 : memref<800xi32, #tpu.memory_space<hbm>>) target(%dma_start3A_109 : memref<800xi32, #tpu.memory_space<vmem>>) target_semaphore(%dma_start3A_106 : memref<!tpu.dma_semaphore, #tpu.memory_space<semaphore_mem>>)
    %dma_wait3A = arith.constant 0 : i32
    %dma_wait3A_112 = arith.constant 0 : i32
    %dma_wait3A_113 = arith.constant 0 : i32
    %dma_wait3A_114 = arith.constant 0 : i32
    %dma_wait3A_115 = arith.constant 0 : i32
    %dma_wait3A_116 = tpu.memref_slice %arg7[%dma_wait3A_112, %dma_wait3A_113, %dma_wait3A_115] : memref<3x2x800xi32, #tpu.memory_space<vmem>> -> memref<1x1x800xi32, #tpu.memory_space<vmem>>
    %dma_wait3A_117 = tpu.memref_squeeze %dma_wait3A_116 : memref<1x1x800xi32, #tpu.memory_space<vmem>> -> memref<800xi32, #tpu.memory_space<vmem>>
    %dma_wait3A_118 = arith.constant 0 : i32
    %dma_wait3A_119 = tpu.memref_slice %arg3[%dma_wait3A, %dma_wait3A_118] : memref<2x3200000xi32, #tpu.memory_space<hbm>> -> memref<1x800xi32, #tpu.memory_space<hbm>>
    %dma_wait3A_120 = tpu.memref_squeeze %dma_wait3A_119 : memref<1x800xi32, #tpu.memory_space<hbm>> -> memref<800xi32, #tpu.memory_space<hbm>>
    %dma_wait3A_121 = tpu.memref_slice %arg10[%dma_wait3A_114] : memref<3x!tpu.dma_semaphore, #tpu.memory_space<semaphore_mem>> -> memref<1x!tpu.dma_semaphore, #tpu.memory_space<semaphore_mem>>
    %dma_wait3A_122 = tpu.memref_squeeze %dma_wait3A_121 : memref<1x!tpu.dma_semaphore, #tpu.memory_space<semaphore_mem>> -> memref<!tpu.dma_semaphore, #tpu.memory_space<semaphore_mem>>
    %dma_wait3A_123 = arith.constant 0 : i32
    %dma_wait3A_124 = tpu.memref_slice %arg7[%dma_wait3A_112, %dma_wait3A_113, %dma_wait3A_123] : memref<3x2x800xi32, #tpu.memory_space<vmem>> -> memref<1x1x800xi32, #tpu.memory_space<vmem>>
    %dma_wait3A_125 = tpu.memref_squeeze %dma_wait3A_124 : memref<1x1x800xi32, #tpu.memory_space<vmem>> -> memref<800xi32, #tpu.memory_space<vmem>>
    %dma_wait3A_126 = arith.constant 0 : i32
    %dma_wait3A_127 = tpu.memref_slice %arg3[%dma_wait3A, %dma_wait3A_126] : memref<2x3200000xi32, #tpu.memory_space<hbm>> -> memref<1x800xi32, #tpu.memory_space<hbm>>
    %dma_wait3A_128 = tpu.memref_squeeze %dma_wait3A_127 : memref<1x800xi32, #tpu.memory_space<hbm>> -> memref<800xi32, #tpu.memory_space<hbm>>
    tpu.wait_dma2 semaphore(%dma_wait3A_122 : memref<!tpu.dma_semaphore, #tpu.memory_space<semaphore_mem>>) src(%dma_wait3A_128 : memref<800xi32, #tpu.memory_space<hbm>>) dst(%dma_wait3A_125 : memref<800xi32, #tpu.memory_space<vmem>>)
    %dma_wait3A_129 = arith.constant 1 : i32
    %dma_wait3A_130 = arith.constant 0 : i32
    %dma_wait3A_131 = arith.constant 1 : i32
    %dma_wait3A_132 = arith.constant 0 : i32
    %dma_wait3A_133 = arith.constant 0 : i32
    %dma_wait3A_134 = tpu.memref_slice %arg7[%dma_wait3A_130, %dma_wait3A_131, %dma_wait3A_133] : memref<3x2x800xi32, #tpu.memory_space<vmem>> -> memref<1x1x800xi32, #tpu.memory_space<vmem>>
    %dma_wait3A_135 = tpu.memref_squeeze %dma_wait3A_134 : memref<1x1x800xi32, #tpu.memory_space<vmem>> -> memref<800xi32, #tpu.memory_space<vmem>>
    %dma_wait3A_136 = arith.constant 0 : i32
    %dma_wait3A_137 = tpu.memref_slice %arg3[%dma_wait3A_129, %dma_wait3A_136] : memref<2x3200000xi32, #tpu.memory_space<hbm>> -> memref<1x800xi32, #tpu.memory_space<hbm>>
    %dma_wait3A_138 = tpu.memref_squeeze %dma_wait3A_137 : memref<1x800xi32, #tpu.memory_space<hbm>> -> memref<800xi32, #tpu.memory_space<hbm>>
    %dma_wait3A_139 = tpu.memref_slice %arg10[%dma_wait3A_132] : memref<3x!tpu.dma_semaphore, #tpu.memory_space<semaphore_mem>> -> memref<1x!tpu.dma_semaphore, #tpu.memory_space<semaphore_mem>>
    %dma_wait3A_140 = tpu.memref_squeeze %dma_wait3A_139 : memref<1x!tpu.dma_semaphore, #tpu.memory_space<semaphore_mem>> -> memref<!tpu.dma_semaphore, #tpu.memory_space<semaphore_mem>>
    %dma_wait3A_141 = arith.constant 0 : i32
    %dma_wait3A_142 = tpu.memref_slice %arg7[%dma_wait3A_130, %dma_wait3A_131, %dma_wait3A_141] : memref<3x2x800xi32, #tpu.memory_space<vmem>> -> memref<1x1x800xi32, #tpu.memory_space<vmem>>
    %dma_wait3A_143 = tpu.memref_squeeze %dma_wait3A_142 : memref<1x1x800xi32, #tpu.memory_space<vmem>> -> memref<800xi32, #tpu.memory_space<vmem>>
    %dma_wait3A_144 = arith.constant 0 : i32
    %dma_wait3A_145 = tpu.memref_slice %arg3[%dma_wait3A_129, %dma_wait3A_144] : memref<2x3200000xi32, #tpu.memory_space<hbm>> -> memref<1x800xi32, #tpu.memory_space<hbm>>
    %dma_wait3A_146 = tpu.memref_squeeze %dma_wait3A_145 : memref<1x800xi32, #tpu.memory_space<hbm>> -> memref<800xi32, #tpu.memory_space<hbm>>
    tpu.wait_dma2 semaphore(%dma_wait3A_140 : memref<!tpu.dma_semaphore, #tpu.memory_space<semaphore_mem>>) src(%dma_wait3A_146 : memref<800xi32, #tpu.memory_space<hbm>>) dst(%dma_wait3A_143 : memref<800xi32, #tpu.memory_space<vmem>>)
    %dma_start3A_147 = arith.constant 0 : i32
    %dma_start3A_148 = arith.constant 0 : i32
    %dma_start3A_149 = arith.constant 0 : i32
    %dma_start3A_150 = tpu.memref_slice %arg7[%dma_start3A_147, %dma_start3A_148, %dma_start3A_149] : memref<3x2x800xi32, #tpu.memory_space<vmem>> -> memref<1x1x800xi32, #tpu.memory_space<vmem>>
    %dma_start3A_151 = tpu.memref_squeeze %dma_start3A_150 : memref<1x1x800xi32, #tpu.memory_space<vmem>> -> memref<800xi32, #tpu.memory_space<vmem>>
    %dma_start3A_152 = arith.constant 0 : i32
    %dma_start3A_153 = arith.constant 0 : i32
    %dma_start3A_154 = tpu.memref_slice %arg2[%dma_start3A_152, %dma_start3A_153] : memref<100096x16xf32, #tpu.memory_space<hbm>> -> memref<100096x16xf32, #tpu.memory_space<hbm>>
    tpu.enqueue_indirect_dma source(%dma_start3A_154 : memref<100096x16xf32, #tpu.memory_space<hbm>>) target(%arg8 : memref<800x16xf32, #tpu.memory_space<vmem>>) offsets(%dma_start3A_151 : memref<800xi32, #tpu.memory_space<vmem>>) semaphore(%arg11 : memref<!tpu.dma_semaphore, #tpu.memory_space<semaphore_mem>>)
    %scan3A = arith.constant 0 : i32
    %scan3A_155 = arith.constant 0 : i32
    %scan3A_156 = arith.constant 62 : i32
    %scan3A_157 = arith.addi %scan3A_155, %scan3A_156 : i32
    %scan3A_158 = arith.constant 1 : i32
    scf.for %scan3A_170 = %scan3A_155 to %scan3A_157 step %scan3A_158  : i32 {
      %mul3A_171 = arith.constant 2 : i32
      %mul3A_172 = arith.muli %mul3A_171, %scan3A_170 : i32
      %add3A_173 = arith.constant 1 : i32
      %add3A_174 = arith.addi %mul3A_172, %add3A_173 : i32
      %rem3A = arith.constant 3 : i32
      %rem3A_175 = arith.remsi %add3A_174, %rem3A : i32
      %dma_wait3A_176 = arith.constant 0 : i32
      %dma_wait3A_177 = arith.constant 0 : i32
      %dma_wait3A_178 = arith.constant 0 : i32
      %dma_wait3A_179 = tpu.memref_slice %arg7[%rem3A_175, %dma_wait3A_177, %dma_wait3A_178] : memref<3x2x800xi32, #tpu.memory_space<vmem>> -> memref<1x1x800xi32, #tpu.memory_space<vmem>>
      %dma_wait3A_180 = tpu.memref_squeeze %dma_wait3A_179 : memref<1x1x800xi32, #tpu.memory_space<vmem>> -> memref<800xi32, #tpu.memory_space<vmem>>
      %dma_wait3A_181 = arith.constant 0 : i32
      %dma_wait3A_182 = tpu.memref_slice %arg3[%dma_wait3A_176, %dma_wait3A_181] : memref<2x3200000xi32, #tpu.memory_space<hbm>> -> memref<1x800xi32, #tpu.memory_space<hbm>>
      %dma_wait3A_183 = tpu.memref_squeeze %dma_wait3A_182 : memref<1x800xi32, #tpu.memory_space<hbm>> -> memref<800xi32, #tpu.memory_space<hbm>>
      %dma_wait3A_184 = tpu.memref_slice %arg10[%rem3A_175] : memref<3x!tpu.dma_semaphore, #tpu.memory_space<semaphore_mem>> -> memref<1x!tpu.dma_semaphore, #tpu.memory_space<semaphore_mem>>
      %dma_wait3A_185 = tpu.memref_squeeze %dma_wait3A_184 : memref<1x!tpu.dma_semaphore, #tpu.memory_space<semaphore_mem>> -> memref<!tpu.dma_semaphore, #tpu.memory_space<semaphore_mem>>
      %dma_wait3A_186 = arith.constant 0 : i32
      %dma_wait3A_187 = tpu.memref_slice %arg7[%rem3A_175, %dma_wait3A_177, %dma_wait3A_186] : memref<3x2x800xi32, #tpu.memory_space<vmem>> -> memref<1x1x800xi32, #tpu.memory_space<vmem>>
      %dma_wait3A_188 = tpu.memref_squeeze %dma_wait3A_187 : memref<1x1x800xi32, #tpu.memory_space<vmem>> -> memref<800xi32, #tpu.memory_space<vmem>>
      %dma_wait3A_189 = arith.constant 0 : i32
      %dma_wait3A_190 = tpu.memref_slice %arg3[%dma_wait3A_176, %dma_wait3A_189] : memref<2x3200000xi32, #tpu.memory_space<hbm>> -> memref<1x800xi32, #tpu.memory_space<hbm>>
      %dma_wait3A_191 = tpu.memref_squeeze %dma_wait3A_190 : memref<1x800xi32, #tpu.memory_space<hbm>> -> memref<800xi32, #tpu.memory_space<hbm>>
      tpu.wait_dma2 semaphore(%dma_wait3A_185 : memref<!tpu.dma_semaphore, #tpu.memory_space<semaphore_mem>>) src(%dma_wait3A_191 : memref<800xi32, #tpu.memory_space<hbm>>) dst(%dma_wait3A_188 : memref<800xi32, #tpu.memory_space<vmem>>)
      %dma_wait3A_192 = arith.constant 1 : i32
      %dma_wait3A_193 = arith.constant 1 : i32
      %dma_wait3A_194 = arith.constant 0 : i32
      %dma_wait3A_195 = tpu.memref_slice %arg7[%rem3A_175, %dma_wait3A_193, %dma_wait3A_194] : memref<3x2x800xi32, #tpu.memory_space<vmem>> -> memref<1x1x800xi32, #tpu.memory_space<vmem>>
      %dma_wait3A_196 = tpu.memref_squeeze %dma_wait3A_195 : memref<1x1x800xi32, #tpu.memory_space<vmem>> -> memref<800xi32, #tpu.memory_space<vmem>>
      %dma_wait3A_197 = arith.constant 0 : i32
      %dma_wait3A_198 = tpu.memref_slice %arg3[%dma_wait3A_192, %dma_wait3A_197] : memref<2x3200000xi32, #tpu.memory_space<hbm>> -> memref<1x800xi32, #tpu.memory_space<hbm>>
      %dma_wait3A_199 = tpu.memref_squeeze %dma_wait3A_198 : memref<1x800xi32, #tpu.memory_space<hbm>> -> memref<800xi32, #tpu.memory_space<hbm>>
      %dma_wait3A_200 = tpu.memref_slice %arg10[%rem3A_175] : memref<3x!tpu.dma_semaphore, #tpu.memory_space<semaphore_mem>> -> memref<1x!tpu.dma_semaphore, #tpu.memory_space<semaphore_mem>>
      %dma_wait3A_201 = tpu.memref_squeeze %dma_wait3A_200 : memref<1x!tpu.dma_semaphore, #tpu.memory_space<semaphore_mem>> -> memref<!tpu.dma_semaphore, #tpu.memory_space<semaphore_mem>>
      %dma_wait3A_202 = arith.constant 0 : i32
      %dma_wait3A_203 = tpu.memref_slice %arg7[%rem3A_175, %dma_wait3A_193, %dma_wait3A_202] : memref<3x2x800xi32, #tpu.memory_space<vmem>> -> memref<1x1x800xi32, #tpu.memory_space<vmem>>
      %dma_wait3A_204 = tpu.memref_squeeze %dma_wait3A_203 : memref<1x1x800xi32, #tpu.memory_space<vmem>> -> memref<800xi32, #tpu.memory_space<vmem>>
      %dma_wait3A_205 = arith.constant 0 : i32
      %dma_wait3A_206 = tpu.memref_slice %arg3[%dma_wait3A_192, %dma_wait3A_205] : memref<2x3200000xi32, #tpu.memory_space<hbm>> -> memref<1x800xi32, #tpu.memory_space<hbm>>
      %dma_wait3A_207 = tpu.memref_squeeze %dma_wait3A_206 : memref<1x800xi32, #tpu.memory_space<hbm>> -> memref<800xi32, #tpu.memory_space<hbm>>
      tpu.wait_dma2 semaphore(%dma_wait3A_201 : memref<!tpu.dma_semaphore, #tpu.memory_space<semaphore_mem>>) src(%dma_wait3A_207 : memref<800xi32, #tpu.memory_space<hbm>>) dst(%dma_wait3A_204 : memref<800xi32, #tpu.memory_space<vmem>>)
      %add3A_208 = arith.constant 1 : i32
      %add3A_209 = arith.addi %mul3A_172, %add3A_208 : i32
      %rem3A_210 = arith.constant 3 : i32
      %rem3A_211 = arith.remsi %add3A_209, %rem3A_210 : i32
      %dma_start3A_212 = arith.constant 0 : i32
      %dma_start3A_213 = arith.constant 0 : i32
      %dma_start3A_214 = tpu.memref_slice %arg7[%rem3A_211, %dma_start3A_212, %dma_start3A_213] : memref<3x2x800xi32, #tpu.memory_space<vmem>> -> memref<1x1x800xi32, #tpu.memory_space<vmem>>
      %dma_start3A_215 = tpu.memref_squeeze %dma_start3A_214 : memref<1x1x800xi32, #tpu.memory_space<vmem>> -> memref<800xi32, #tpu.memory_space<vmem>>
      %dma_start3A_216 = arith.constant 0 : i32
      %dma_start3A_217 = arith.constant 0 : i32
      %dma_start3A_218 = tpu.memref_slice %arg2[%dma_start3A_216, %dma_start3A_217] : memref<100096x16xf32, #tpu.memory_space<hbm>> -> memref<100096x16xf32, #tpu.memory_space<hbm>>
      tpu.enqueue_indirect_dma source(%dma_start3A_218 : memref<100096x16xf32, #tpu.memory_space<hbm>>) target(%arg9 : memref<800x16xf32, #tpu.memory_space<vmem>>) offsets(%dma_start3A_215 : memref<800xi32, #tpu.memory_space<vmem>>) semaphore(%arg12 : memref<!tpu.dma_semaphore, #tpu.memory_space<semaphore_mem>>)
      %rem3A_219 = arith.constant 3 : i32
      %rem3A_220 = arith.remsi %mul3A_172, %rem3A_219 : i32
      %dma_wait3A_221 = arith.constant 0 : i32
      %dma_wait3A_222 = arith.constant 0 : i32
      %dma_wait3A_223 = tpu.memref_slice %arg7[%rem3A_220, %dma_wait3A_221, %dma_wait3A_222] : memref<3x2x800xi32, #tpu.memory_space<vmem>> -> memref<1x1x800xi32, #tpu.memory_space<vmem>>
      %dma_wait3A_224 = tpu.memref_squeeze %dma_wait3A_223 : memref<1x1x800xi32, #tpu.memory_space<vmem>> -> memref<800xi32, #tpu.memory_space<vmem>>
      %dma_wait3A_225 = arith.constant 0 : i32
      %dma_wait3A_226 = arith.constant 0 : i32
      %dma_wait3A_227 = tpu.memref_slice %arg2[%dma_wait3A_225, %dma_wait3A_226] : memref<100096x16xf32, #tpu.memory_space<hbm>> -> memref<100096x16xf32, #tpu.memory_space<hbm>>
      tpu.wait_indirect_dma semaphore(%arg11 : memref<!tpu.dma_semaphore, #tpu.memory_space<semaphore_mem>>) src(%dma_wait3A_227 : memref<100096x16xf32, #tpu.memory_space<hbm>>) dst(%arg8 : memref<800x16xf32, #tpu.memory_space<vmem>>)
      %rem3A_228 = arith.constant 3 : i32
      %rem3A_229 = arith.remsi %mul3A_172, %rem3A_228 : i32
      %run_scoped3A_230 = arith.constant 1 : i32
      "tpu.region"() ({
        %run_scoped3A_265 = tpu.sem_alloc : memref<!tpu.dma_semaphore, #tpu.memory_space<semaphore_mem>>
        %dma_start3A_266 = arith.constant 0 : i32
        %dma_start3A_267 = tpu.memref_slice %arg7[%rem3A_229, %run_scoped3A_230, %dma_start3A_266] : memref<3x2x800xi32, #tpu.memory_space<vmem>> -> memref<1x1x800xi32, #tpu.memory_space<vmem>>
        %dma_start3A_268 = tpu.memref_squeeze %dma_start3A_267 : memref<1x1x800xi32, #tpu.memory_space<vmem>> -> memref<800xi32, #tpu.memory_space<vmem>>
        %dma_start3A_269 = arith.constant 0 : i32
        %dma_start3A_270 = arith.constant 0 : i32
        %dma_start3A_271 = tpu.memref_slice %arg6[%dma_start3A_269, %dma_start3A_270] : memref<100096x16xf32, #tpu.memory_space<vmem_shared>> -> memref<100096x16xf32, #tpu.memory_space<vmem_shared>>
        tpu.enqueue_indirect_dma source(%arg8 : memref<800x16xf32, #tpu.memory_space<vmem>>) target(%dma_start3A_271 : memref<100096x16xf32, #tpu.memory_space<vmem_shared>>) offsets(%dma_start3A_268 : memref<800xi32, #tpu.memory_space<vmem>>) semaphore(%run_scoped3A_265 : memref<!tpu.dma_semaphore, #tpu.memory_space<semaphore_mem>>) {add = true}
        %dma_wait3A_272 = arith.constant 0 : i32
        %dma_wait3A_273 = tpu.memref_slice %arg7[%rem3A_229, %run_scoped3A_230, %dma_wait3A_272] : memref<3x2x800xi32, #tpu.memory_space<vmem>> -> memref<1x1x800xi32, #tpu.memory_space<vmem>>
        %dma_wait3A_274 = tpu.memref_squeeze %dma_wait3A_273 : memref<1x1x800xi32, #tpu.memory_space<vmem>> -> memref<800xi32, #tpu.memory_space<vmem>>
        %dma_wait3A_275 = arith.constant 0 : i32
        %dma_wait3A_276 = arith.constant 0 : i32
        %dma_wait3A_277 = tpu.memref_slice %arg6[%dma_wait3A_275, %dma_wait3A_276] : memref<100096x16xf32, #tpu.memory_space<vmem_shared>> -> memref<100096x16xf32, #tpu.memory_space<vmem_shared>>
        tpu.wait_indirect_dma semaphore(%run_scoped3A_265 : memref<!tpu.dma_semaphore, #tpu.memory_space<semaphore_mem>>) src(%arg8 : memref<800x16xf32, #tpu.memory_space<vmem>>) dst(%dma_wait3A_277 : memref<100096x16xf32, #tpu.memory_space<vmem_shared>>)
        tpu.yield
      }) : () -> ()
      %add3A_231 = arith.constant 3 : i32
      %add3A_232 = arith.addi %mul3A_172, %add3A_231 : i32
      %lt3A = arith.constant 125 : i32
      %lt3A_233 = arith.cmpi slt, %add3A_232, %lt3A : i32
      %convert_element_type3A = arith.extui %lt3A_233 : i1 to i32
      %cond3A = arith.constant 0 : i32
      %cond3A_234 = arith.cmpi ne, %convert_element_type3A, %cond3A : i32
      scf.if %cond3A_234 {
        %add3A_265 = arith.constant 3 : i32
        %add3A_266 = arith.addi %mul3A_172, %add3A_265 : i32
        %rem3A_267 = arith.constant 3 : i32
        %rem3A_268 = arith.remsi %add3A_266, %rem3A_267 : i32
        %mul3A_269 = arith.constant 800 : i32
        %mul3A_270 = arith.muli %add3A_266, %mul3A_269 : i32
        %add3A_271 = arith.addi %mul3A_4, %mul3A_270 : i32
        %dma_start3A_272 = arith.constant 0 : i32
        %dma_start3A_273 = arith.constant 0 : i32
        %dma_start3A_274 = arith.constant 0 : i32
        %dma_start3A_275 = tpu.memref_slice %arg7[%rem3A_268, %dma_start3A_273, %dma_start3A_274] : memref<3x2x800xi32, #tpu.memory_space<vmem>> -> memref<1x1x800xi32, #tpu.memory_space<vmem>>
        %dma_start3A_276 = tpu.memref_squeeze %dma_start3A_275 : memref<1x1x800xi32, #tpu.memory_space<vmem>> -> memref<800xi32, #tpu.memory_space<vmem>>
        %dma_start3A_277 = tpu.memref_slice %arg3[%dma_start3A_272, %add3A_271] : memref<2x3200000xi32, #tpu.memory_space<hbm>> -> memref<1x800xi32, #tpu.memory_space<hbm>>
        %dma_start3A_278 = tpu.memref_squeeze %dma_start3A_277 : memref<1x800xi32, #tpu.memory_space<hbm>> -> memref<800xi32, #tpu.memory_space<hbm>>
        %dma_start3A_279 = tpu.memref_slice %arg10[%rem3A_268] : memref<3x!tpu.dma_semaphore, #tpu.memory_space<semaphore_mem>> -> memref<1x!tpu.dma_semaphore, #tpu.memory_space<semaphore_mem>>
        %dma_start3A_280 = tpu.memref_squeeze %dma_start3A_279 : memref<1x!tpu.dma_semaphore, #tpu.memory_space<semaphore_mem>> -> memref<!tpu.dma_semaphore, #tpu.memory_space<semaphore_mem>>
        %dma_start3A_281 = arith.constant 0 : i32
        %dma_start3A_282 = tpu.memref_slice %arg7[%rem3A_268, %dma_start3A_273, %dma_start3A_281] : memref<3x2x800xi32, #tpu.memory_space<vmem>> -> memref<1x1x800xi32, #tpu.memory_space<vmem>>
        %dma_start3A_283 = tpu.memref_squeeze %dma_start3A_282 : memref<1x1x800xi32, #tpu.memory_space<vmem>> -> memref<800xi32, #tpu.memory_space<vmem>>
        %dma_start3A_284 = tpu.memref_slice %arg3[%dma_start3A_272, %add3A_271] : memref<2x3200000xi32, #tpu.memory_space<hbm>> -> memref<1x800xi32, #tpu.memory_space<hbm>>
        %dma_start3A_285 = tpu.memref_squeeze %dma_start3A_284 : memref<1x800xi32, #tpu.memory_space<hbm>> -> memref<800xi32, #tpu.memory_space<hbm>>
        tpu.enqueue_dma source(%dma_start3A_285 : memref<800xi32, #tpu.memory_space<hbm>>) target(%dma_start3A_283 : memref<800xi32, #tpu.memory_space<vmem>>) target_semaphore(%dma_start3A_280 : memref<!tpu.dma_semaphore, #tpu.memory_space<semaphore_mem>>)
        %mul3A_286 = arith.constant 800 : i32
        %mul3A_287 = arith.muli %add3A_266, %mul3A_286 : i32
        %add3A_288 = arith.addi %mul3A_4, %mul3A_287 : i32
        %dma_start3A_289 = arith.constant 1 : i32
        %dma_start3A_290 = arith.constant 1 : i32
        %dma_start3A_291 = arith.constant 0 : i32
        %dma_start3A_292 = tpu.memref_slice %arg7[%rem3A_268, %dma_start3A_290, %dma_start3A_291] : memref<3x2x800xi32, #tpu.memory_space<vmem>> -> memref<1x1x800xi32, #tpu.memory_space<vmem>>
        %dma_start3A_293 = tpu.memref_squeeze %dma_start3A_292 : memref<1x1x800xi32, #tpu.memory_space<vmem>> -> memref<800xi32, #tpu.memory_space<vmem>>
        %dma_start3A_294 = tpu.memref_slice %arg3[%dma_start3A_289, %add3A_288] : memref<2x3200000xi32, #tpu.memory_space<hbm>> -> memref<1x800xi32, #tpu.memory_space<hbm>>
        %dma_start3A_295 = tpu.memref_squeeze %dma_start3A_294 : memref<1x800xi32, #tpu.memory_space<hbm>> -> memref<800xi32, #tpu.memory_space<hbm>>
        %dma_start3A_296 = tpu.memref_slice %arg10[%rem3A_268] : memref<3x!tpu.dma_semaphore, #tpu.memory_space<semaphore_mem>> -> memref<1x!tpu.dma_semaphore, #tpu.memory_space<semaphore_mem>>
        %dma_start3A_297 = tpu.memref_squeeze %dma_start3A_296 : memref<1x!tpu.dma_semaphore, #tpu.memory_space<semaphore_mem>> -> memref<!tpu.dma_semaphore, #tpu.memory_space<semaphore_mem>>
        %dma_start3A_298 = arith.constant 0 : i32
        %dma_start3A_299 = tpu.memref_slice %arg7[%rem3A_268, %dma_start3A_290, %dma_start3A_298] : memref<3x2x800xi32, #tpu.memory_space<vmem>> -> memref<1x1x800xi32, #tpu.memory_space<vmem>>
        %dma_start3A_300 = tpu.memref_squeeze %dma_start3A_299 : memref<1x1x800xi32, #tpu.memory_space<vmem>> -> memref<800xi32, #tpu.memory_space<vmem>>
        %dma_start3A_301 = tpu.memref_slice %arg3[%dma_start3A_289, %add3A_288] : memref<2x3200000xi32, #tpu.memory_space<hbm>> -> memref<1x800xi32, #tpu.memory_space<hbm>>
        %dma_start3A_302 = tpu.memref_squeeze %dma_start3A_301 : memref<1x800xi32, #tpu.memory_space<hbm>> -> memref<800xi32, #tpu.memory_space<hbm>>
        tpu.enqueue_dma source(%dma_start3A_302 : memref<800xi32, #tpu.memory_space<hbm>>) target(%dma_start3A_300 : memref<800xi32, #tpu.memory_space<vmem>>) target_semaphore(%dma_start3A_297 : memref<!tpu.dma_semaphore, #tpu.memory_space<semaphore_mem>>)
      } else {
      }
      %add3A_235 = arith.constant 2 : i32
      %add3A_236 = arith.addi %mul3A_172, %add3A_235 : i32
      %lt3A_237 = arith.constant 125 : i32
      %lt3A_238 = arith.cmpi slt, %add3A_236, %lt3A_237 : i32
      %convert_element_type3A_239 = arith.extui %lt3A_238 : i1 to i32
      %cond3A_240 = arith.constant 0 : i32
      %cond3A_241 = arith.cmpi ne, %convert_element_type3A_239, %cond3A_240 : i32
      scf.if %cond3A_241 {
        %add3A_265 = arith.constant 2 : i32
        %add3A_266 = arith.addi %mul3A_172, %add3A_265 : i32
        %rem3A_267 = arith.constant 3 : i32
        %rem3A_268 = arith.remsi %add3A_266, %rem3A_267 : i32
        %dma_wait3A_269 = arith.constant 0 : i32
        %dma_wait3A_270 = arith.constant 0 : i32
        %dma_wait3A_271 = arith.constant 0 : i32
        %dma_wait3A_272 = tpu.memref_slice %arg7[%rem3A_268, %dma_wait3A_270, %dma_wait3A_271] : memref<3x2x800xi32, #tpu.memory_space<vmem>> -> memref<1x1x800xi32, #tpu.memory_space<vmem>>
        %dma_wait3A_273 = tpu.memref_squeeze %dma_wait3A_272 : memref<1x1x800xi32, #tpu.memory_space<vmem>> -> memref<800xi32, #tpu.memory_space<vmem>>
        %dma_wait3A_274 = arith.constant 0 : i32
        %dma_wait3A_275 = tpu.memref_slice %arg3[%dma_wait3A_269, %dma_wait3A_274] : memref<2x3200000xi32, #tpu.memory_space<hbm>> -> memref<1x800xi32, #tpu.memory_space<hbm>>
        %dma_wait3A_276 = tpu.memref_squeeze %dma_wait3A_275 : memref<1x800xi32, #tpu.memory_space<hbm>> -> memref<800xi32, #tpu.memory_space<hbm>>
        %dma_wait3A_277 = tpu.memref_slice %arg10[%rem3A_268] : memref<3x!tpu.dma_semaphore, #tpu.memory_space<semaphore_mem>> -> memref<1x!tpu.dma_semaphore, #tpu.memory_space<semaphore_mem>>
        %dma_wait3A_278 = tpu.memref_squeeze %dma_wait3A_277 : memref<1x!tpu.dma_semaphore, #tpu.memory_space<semaphore_mem>> -> memref<!tpu.dma_semaphore, #tpu.memory_space<semaphore_mem>>
        %dma_wait3A_279 = arith.constant 0 : i32
        %dma_wait3A_280 = tpu.memref_slice %arg7[%rem3A_268, %dma_wait3A_270, %dma_wait3A_279] : memref<3x2x800xi32, #tpu.memory_space<vmem>> -> memref<1x1x800xi32, #tpu.memory_space<vmem>>
        %dma_wait3A_281 = tpu.memref_squeeze %dma_wait3A_280 : memref<1x1x800xi32, #tpu.memory_space<vmem>> -> memref<800xi32, #tpu.memory_space<vmem>>
        %dma_wait3A_282 = arith.constant 0 : i32
        %dma_wait3A_283 = tpu.memref_slice %arg3[%dma_wait3A_269, %dma_wait3A_282] : memref<2x3200000xi32, #tpu.memory_space<hbm>> -> memref<1x800xi32, #tpu.memory_space<hbm>>
        %dma_wait3A_284 = tpu.memref_squeeze %dma_wait3A_283 : memref<1x800xi32, #tpu.memory_space<hbm>> -> memref<800xi32, #tpu.memory_space<hbm>>
        tpu.wait_dma2 semaphore(%dma_wait3A_278 : memref<!tpu.dma_semaphore, #tpu.memory_space<semaphore_mem>>) src(%dma_wait3A_284 : memref<800xi32, #tpu.memory_space<hbm>>) dst(%dma_wait3A_281 : memref<800xi32, #tpu.memory_space<vmem>>)
        %dma_wait3A_285 = arith.constant 1 : i32
        %dma_wait3A_286 = arith.constant 1 : i32
        %dma_wait3A_287 = arith.constant 0 : i32
        %dma_wait3A_288 = tpu.memref_slice %arg7[%rem3A_268, %dma_wait3A_286, %dma_wait3A_287] : memref<3x2x800xi32, #tpu.memory_space<vmem>> -> memref<1x1x800xi32, #tpu.memory_space<vmem>>
        %dma_wait3A_289 = tpu.memref_squeeze %dma_wait3A_288 : memref<1x1x800xi32, #tpu.memory_space<vmem>> -> memref<800xi32, #tpu.memory_space<vmem>>
        %dma_wait3A_290 = arith.constant 0 : i32
        %dma_wait3A_291 = tpu.memref_slice %arg3[%dma_wait3A_285, %dma_wait3A_290] : memref<2x3200000xi32, #tpu.memory_space<hbm>> -> memref<1x800xi32, #tpu.memory_space<hbm>>
        %dma_wait3A_292 = tpu.memref_squeeze %dma_wait3A_291 : memref<1x800xi32, #tpu.memory_space<hbm>> -> memref<800xi32, #tpu.memory_space<hbm>>
        %dma_wait3A_293 = tpu.memref_slice %arg10[%rem3A_268] : memref<3x!tpu.dma_semaphore, #tpu.memory_space<semaphore_mem>> -> memref<1x!tpu.dma_semaphore, #tpu.memory_space<semaphore_mem>>
        %dma_wait3A_294 = tpu.memref_squeeze %dma_wait3A_293 : memref<1x!tpu.dma_semaphore, #tpu.memory_space<semaphore_mem>> -> memref<!tpu.dma_semaphore, #tpu.memory_space<semaphore_mem>>
        %dma_wait3A_295 = arith.constant 0 : i32
        %dma_wait3A_296 = tpu.memref_slice %arg7[%rem3A_268, %dma_wait3A_286, %dma_wait3A_295] : memref<3x2x800xi32, #tpu.memory_space<vmem>> -> memref<1x1x800xi32, #tpu.memory_space<vmem>>
        %dma_wait3A_297 = tpu.memref_squeeze %dma_wait3A_296 : memref<1x1x800xi32, #tpu.memory_space<vmem>> -> memref<800xi32, #tpu.memory_space<vmem>>
        %dma_wait3A_298 = arith.constant 0 : i32
        %dma_wait3A_299 = tpu.memref_slice %arg3[%dma_wait3A_285, %dma_wait3A_298] : memref<2x3200000xi32, #tpu.memory_space<hbm>> -> memref<1x800xi32, #tpu.memory_space<hbm>>
        %dma_wait3A_300 = tpu.memref_squeeze %dma_wait3A_299 : memref<1x800xi32, #tpu.memory_space<hbm>> -> memref<800xi32, #tpu.memory_space<hbm>>
        tpu.wait_dma2 semaphore(%dma_wait3A_294 : memref<!tpu.dma_semaphore, #tpu.memory_space<semaphore_mem>>) src(%dma_wait3A_300 : memref<800xi32, #tpu.memory_space<hbm>>) dst(%dma_wait3A_297 : memref<800xi32, #tpu.memory_space<vmem>>)
        %add3A_301 = arith.constant 2 : i32
        %add3A_302 = arith.addi %mul3A_172, %add3A_301 : i32
        %rem3A_303 = arith.constant 3 : i32
        %rem3A_304 = arith.remsi %add3A_302, %rem3A_303 : i32
        %dma_start3A_305 = arith.constant 0 : i32
        %dma_start3A_306 = arith.constant 0 : i32
        %dma_start3A_307 = tpu.memref_slice %arg7[%rem3A_304, %dma_start3A_305, %dma_start3A_306] : memref<3x2x800xi32, #tpu.memory_space<vmem>> -> memref<1x1x800xi32, #tpu.memory_space<vmem>>
        %dma_start3A_308 = tpu.memref_squeeze %dma_start3A_307 : memref<1x1x800xi32, #tpu.memory_space<vmem>> -> memref<800xi32, #tpu.memory_space<vmem>>
        %dma_start3A_309 = arith.constant 0 : i32
        %dma_start3A_310 = arith.constant 0 : i32
        %dma_start3A_311 = tpu.memref_slice %arg2[%dma_start3A_309, %dma_start3A_310] : memref<100096x16xf32, #tpu.memory_space<hbm>> -> memref<100096x16xf32, #tpu.memory_space<hbm>>
        tpu.enqueue_indirect_dma source(%dma_start3A_311 : memref<100096x16xf32, #tpu.memory_space<hbm>>) target(%arg8 : memref<800x16xf32, #tpu.memory_space<vmem>>) offsets(%dma_start3A_308 : memref<800xi32, #tpu.memory_space<vmem>>) semaphore(%arg11 : memref<!tpu.dma_semaphore, #tpu.memory_space<semaphore_mem>>)
      } else {
      }
      %add3A_242 = arith.constant 1 : i32
      %add3A_243 = arith.addi %mul3A_172, %add3A_242 : i32
      %rem3A_244 = arith.constant 3 : i32
      %rem3A_245 = arith.remsi %add3A_243, %rem3A_244 : i32
      %dma_wait3A_246 = arith.constant 0 : i32
      %dma_wait3A_247 = arith.constant 0 : i32
      %dma_wait3A_248 = tpu.memref_slice %arg7[%rem3A_245, %dma_wait3A_246, %dma_wait3A_247] : memref<3x2x800xi32, #tpu.memory_space<vmem>> -> memref<1x1x800xi32, #tpu.memory_space<vmem>>
      %dma_wait3A_249 = tpu.memref_squeeze %dma_wait3A_248 : memref<1x1x800xi32, #tpu.memory_space<vmem>> -> memref<800xi32, #tpu.memory_space<vmem>>
      %dma_wait3A_250 = arith.constant 0 : i32
      %dma_wait3A_251 = arith.constant 0 : i32
      %dma_wait3A_252 = tpu.memref_slice %arg2[%dma_wait3A_250, %dma_wait3A_251] : memref<100096x16xf32, #tpu.memory_space<hbm>> -> memref<100096x16xf32, #tpu.memory_space<hbm>>
      tpu.wait_indirect_dma semaphore(%arg12 : memref<!tpu.dma_semaphore, #tpu.memory_space<semaphore_mem>>) src(%dma_wait3A_252 : memref<100096x16xf32, #tpu.memory_space<hbm>>) dst(%arg9 : memref<800x16xf32, #tpu.memory_space<vmem>>)
      %add3A_253 = arith.constant 1 : i32
      %add3A_254 = arith.addi %mul3A_172, %add3A_253 : i32
      %rem3A_255 = arith.constant 3 : i32
      %rem3A_256 = arith.remsi %add3A_254, %rem3A_255 : i32
      %run_scoped3A_257 = arith.constant 1 : i32
      "tpu.region"() ({
        %run_scoped3A_265 = tpu.sem_alloc : memref<!tpu.dma_semaphore, #tpu.memory_space<semaphore_mem>>
        %dma_start3A_266 = arith.constant 0 : i32
        %dma_start3A_267 = tpu.memref_slice %arg7[%rem3A_256, %run_scoped3A_257, %dma_start3A_266] : memref<3x2x800xi32, #tpu.memory_space<vmem>> -> memref<1x1x800xi32, #tpu.memory_space<vmem>>
        %dma_start3A_268 = tpu.memref_squeeze %dma_start3A_267 : memref<1x1x800xi32, #tpu.memory_space<vmem>> -> memref<800xi32, #tpu.memory_space<vmem>>
        %dma_start3A_269 = arith.constant 0 : i32
        %dma_start3A_270 = arith.constant 0 : i32
        %dma_start3A_271 = tpu.memref_slice %arg6[%dma_start3A_269, %dma_start3A_270] : memref<100096x16xf32, #tpu.memory_space<vmem_shared>> -> memref<100096x16xf32, #tpu.memory_space<vmem_shared>>
        tpu.enqueue_indirect_dma source(%arg9 : memref<800x16xf32, #tpu.memory_space<vmem>>) target(%dma_start3A_271 : memref<100096x16xf32, #tpu.memory_space<vmem_shared>>) offsets(%dma_start3A_268 : memref<800xi32, #tpu.memory_space<vmem>>) semaphore(%run_scoped3A_265 : memref<!tpu.dma_semaphore, #tpu.memory_space<semaphore_mem>>) {add = true}
        %dma_wait3A_272 = arith.constant 0 : i32
        %dma_wait3A_273 = tpu.memref_slice %arg7[%rem3A_256, %run_scoped3A_257, %dma_wait3A_272] : memref<3x2x800xi32, #tpu.memory_space<vmem>> -> memref<1x1x800xi32, #tpu.memory_space<vmem>>
        %dma_wait3A_274 = tpu.memref_squeeze %dma_wait3A_273 : memref<1x1x800xi32, #tpu.memory_space<vmem>> -> memref<800xi32, #tpu.memory_space<vmem>>
        %dma_wait3A_275 = arith.constant 0 : i32
        %dma_wait3A_276 = arith.constant 0 : i32
        %dma_wait3A_277 = tpu.memref_slice %arg6[%dma_wait3A_275, %dma_wait3A_276] : memref<100096x16xf32, #tpu.memory_space<vmem_shared>> -> memref<100096x16xf32, #tpu.memory_space<vmem_shared>>
        tpu.wait_indirect_dma semaphore(%run_scoped3A_265 : memref<!tpu.dma_semaphore, #tpu.memory_space<semaphore_mem>>) src(%arg9 : memref<800x16xf32, #tpu.memory_space<vmem>>) dst(%dma_wait3A_277 : memref<100096x16xf32, #tpu.memory_space<vmem_shared>>)
        tpu.yield
      }) : () -> ()
      %add3A_258 = arith.constant 4 : i32
      %add3A_259 = arith.addi %mul3A_172, %add3A_258 : i32
      %lt3A_260 = arith.constant 125 : i32
      %lt3A_261 = arith.cmpi slt, %add3A_259, %lt3A_260 : i32
      %convert_element_type3A_262 = arith.extui %lt3A_261 : i1 to i32
      %cond3A_263 = arith.constant 0 : i32
      %cond3A_264 = arith.cmpi ne, %convert_element_type3A_262, %cond3A_263 : i32
      scf.if %cond3A_264 {
        %add3A_265 = arith.constant 4 : i32
        %add3A_266 = arith.addi %mul3A_172, %add3A_265 : i32
        %rem3A_267 = arith.constant 3 : i32
        %rem3A_268 = arith.remsi %add3A_266, %rem3A_267 : i32
        %mul3A_269 = arith.constant 800 : i32
        %mul3A_270 = arith.muli %add3A_266, %mul3A_269 : i32
        %add3A_271 = arith.addi %mul3A_4, %mul3A_270 : i32
        %dma_start3A_272 = arith.constant 0 : i32
        %dma_start3A_273 = arith.constant 0 : i32
        %dma_start3A_274 = arith.constant 0 : i32
        %dma_start3A_275 = tpu.memref_slice %arg7[%rem3A_268, %dma_start3A_273, %dma_start3A_274] : memref<3x2x800xi32, #tpu.memory_space<vmem>> -> memref<1x1x800xi32, #tpu.memory_space<vmem>>
        %dma_start3A_276 = tpu.memref_squeeze %dma_start3A_275 : memref<1x1x800xi32, #tpu.memory_space<vmem>> -> memref<800xi32, #tpu.memory_space<vmem>>
        %dma_start3A_277 = tpu.memref_slice %arg3[%dma_start3A_272, %add3A_271] : memref<2x3200000xi32, #tpu.memory_space<hbm>> -> memref<1x800xi32, #tpu.memory_space<hbm>>
        %dma_start3A_278 = tpu.memref_squeeze %dma_start3A_277 : memref<1x800xi32, #tpu.memory_space<hbm>> -> memref<800xi32, #tpu.memory_space<hbm>>
        %dma_start3A_279 = tpu.memref_slice %arg10[%rem3A_268] : memref<3x!tpu.dma_semaphore, #tpu.memory_space<semaphore_mem>> -> memref<1x!tpu.dma_semaphore, #tpu.memory_space<semaphore_mem>>
        %dma_start3A_280 = tpu.memref_squeeze %dma_start3A_279 : memref<1x!tpu.dma_semaphore, #tpu.memory_space<semaphore_mem>> -> memref<!tpu.dma_semaphore, #tpu.memory_space<semaphore_mem>>
        %dma_start3A_281 = arith.constant 0 : i32
        %dma_start3A_282 = tpu.memref_slice %arg7[%rem3A_268, %dma_start3A_273, %dma_start3A_281] : memref<3x2x800xi32, #tpu.memory_space<vmem>> -> memref<1x1x800xi32, #tpu.memory_space<vmem>>
        %dma_start3A_283 = tpu.memref_squeeze %dma_start3A_282 : memref<1x1x800xi32, #tpu.memory_space<vmem>> -> memref<800xi32, #tpu.memory_space<vmem>>
        %dma_start3A_284 = tpu.memref_slice %arg3[%dma_start3A_272, %add3A_271] : memref<2x3200000xi32, #tpu.memory_space<hbm>> -> memref<1x800xi32, #tpu.memory_space<hbm>>
        %dma_start3A_285 = tpu.memref_squeeze %dma_start3A_284 : memref<1x800xi32, #tpu.memory_space<hbm>> -> memref<800xi32, #tpu.memory_space<hbm>>
        tpu.enqueue_dma source(%dma_start3A_285 : memref<800xi32, #tpu.memory_space<hbm>>) target(%dma_start3A_283 : memref<800xi32, #tpu.memory_space<vmem>>) target_semaphore(%dma_start3A_280 : memref<!tpu.dma_semaphore, #tpu.memory_space<semaphore_mem>>)
        %mul3A_286 = arith.constant 800 : i32
        %mul3A_287 = arith.muli %add3A_266, %mul3A_286 : i32
        %add3A_288 = arith.addi %mul3A_4, %mul3A_287 : i32
        %dma_start3A_289 = arith.constant 1 : i32
        %dma_start3A_290 = arith.constant 1 : i32
        %dma_start3A_291 = arith.constant 0 : i32
        %dma_start3A_292 = tpu.memref_slice %arg7[%rem3A_268, %dma_start3A_290, %dma_start3A_291] : memref<3x2x800xi32, #tpu.memory_space<vmem>> -> memref<1x1x800xi32, #tpu.memory_space<vmem>>
        %dma_start3A_293 = tpu.memref_squeeze %dma_start3A_292 : memref<1x1x800xi32, #tpu.memory_space<vmem>> -> memref<800xi32, #tpu.memory_space<vmem>>
        %dma_start3A_294 = tpu.memref_slice %arg3[%dma_start3A_289, %add3A_288] : memref<2x3200000xi32, #tpu.memory_space<hbm>> -> memref<1x800xi32, #tpu.memory_space<hbm>>
        %dma_start3A_295 = tpu.memref_squeeze %dma_start3A_294 : memref<1x800xi32, #tpu.memory_space<hbm>> -> memref<800xi32, #tpu.memory_space<hbm>>
        %dma_start3A_296 = tpu.memref_slice %arg10[%rem3A_268] : memref<3x!tpu.dma_semaphore, #tpu.memory_space<semaphore_mem>> -> memref<1x!tpu.dma_semaphore, #tpu.memory_space<semaphore_mem>>
        %dma_start3A_297 = tpu.memref_squeeze %dma_start3A_296 : memref<1x!tpu.dma_semaphore, #tpu.memory_space<semaphore_mem>> -> memref<!tpu.dma_semaphore, #tpu.memory_space<semaphore_mem>>
        %dma_start3A_298 = arith.constant 0 : i32
        %dma_start3A_299 = tpu.memref_slice %arg7[%rem3A_268, %dma_start3A_290, %dma_start3A_298] : memref<3x2x800xi32, #tpu.memory_space<vmem>> -> memref<1x1x800xi32, #tpu.memory_space<vmem>>
        %dma_start3A_300 = tpu.memref_squeeze %dma_start3A_299 : memref<1x1x800xi32, #tpu.memory_space<vmem>> -> memref<800xi32, #tpu.memory_space<vmem>>
        %dma_start3A_301 = tpu.memref_slice %arg3[%dma_start3A_289, %add3A_288] : memref<2x3200000xi32, #tpu.memory_space<hbm>> -> memref<1x800xi32, #tpu.memory_space<hbm>>
        %dma_start3A_302 = tpu.memref_squeeze %dma_start3A_301 : memref<1x800xi32, #tpu.memory_space<hbm>> -> memref<800xi32, #tpu.memory_space<hbm>>
        tpu.enqueue_dma source(%dma_start3A_302 : memref<800xi32, #tpu.memory_space<hbm>>) target(%dma_start3A_300 : memref<800xi32, #tpu.memory_space<vmem>>) target_semaphore(%dma_start3A_297 : memref<!tpu.dma_semaphore, #tpu.memory_space<semaphore_mem>>)
      } else {
      }
    }
    %scan3A_159 = arith.constant 62 : i32
    %dma_wait3A_160 = arith.constant 1 : i32
    %dma_wait3A_161 = arith.constant 0 : i32
    %dma_wait3A_162 = arith.constant 0 : i32
    %dma_wait3A_163 = tpu.memref_slice %arg7[%dma_wait3A_160, %dma_wait3A_161, %dma_wait3A_162] : memref<3x2x800xi32, #tpu.memory_space<vmem>> -> memref<1x1x800xi32, #tpu.memory_space<vmem>>
    %dma_wait3A_164 = tpu.memref_squeeze %dma_wait3A_163 : memref<1x1x800xi32, #tpu.memory_space<vmem>> -> memref<800xi32, #tpu.memory_space<vmem>>
    %dma_wait3A_165 = arith.constant 0 : i32
    %dma_wait3A_166 = arith.constant 0 : i32
    %dma_wait3A_167 = tpu.memref_slice %arg2[%dma_wait3A_165, %dma_wait3A_166] : memref<100096x16xf32, #tpu.memory_space<hbm>> -> memref<100096x16xf32, #tpu.memory_space<hbm>>
    tpu.wait_indirect_dma semaphore(%arg11 : memref<!tpu.dma_semaphore, #tpu.memory_space<semaphore_mem>>) src(%dma_wait3A_167 : memref<100096x16xf32, #tpu.memory_space<hbm>>) dst(%arg8 : memref<800x16xf32, #tpu.memory_space<vmem>>)
    %run_scoped3A = arith.constant 1 : i32
    %run_scoped3A_168 = arith.constant 1 : i32
    "tpu.region"() ({
      %run_scoped3A_170 = tpu.sem_alloc : memref<!tpu.dma_semaphore, #tpu.memory_space<semaphore_mem>>
      %dma_start3A_171 = arith.constant 0 : i32
      %dma_start3A_172 = tpu.memref_slice %arg7[%run_scoped3A, %run_scoped3A_168, %dma_start3A_171] : memref<3x2x800xi32, #tpu.memory_space<vmem>> -> memref<1x1x800xi32, #tpu.memory_space<vmem>>
      %dma_start3A_173 = tpu.memref_squeeze %dma_start3A_172 : memref<1x1x800xi32, #tpu.memory_space<vmem>> -> memref<800xi32, #tpu.memory_space<vmem>>
      %dma_start3A_174 = arith.constant 0 : i32
      %dma_start3A_175 = arith.constant 0 : i32
      %dma_start3A_176 = tpu.memref_slice %arg6[%dma_start3A_174, %dma_start3A_175] : memref<100096x16xf32, #tpu.memory_space<vmem_shared>> -> memref<100096x16xf32, #tpu.memory_space<vmem_shared>>
      tpu.enqueue_indirect_dma source(%arg8 : memref<800x16xf32, #tpu.memory_space<vmem>>) target(%dma_start3A_176 : memref<100096x16xf32, #tpu.memory_space<vmem_shared>>) offsets(%dma_start3A_173 : memref<800xi32, #tpu.memory_space<vmem>>) semaphore(%run_scoped3A_170 : memref<!tpu.dma_semaphore, #tpu.memory_space<semaphore_mem>>) {add = true}
      %dma_wait3A_177 = arith.constant 0 : i32
      %dma_wait3A_178 = tpu.memref_slice %arg7[%run_scoped3A, %run_scoped3A_168, %dma_wait3A_177] : memref<3x2x800xi32, #tpu.memory_space<vmem>> -> memref<1x1x800xi32, #tpu.memory_space<vmem>>
      %dma_wait3A_179 = tpu.memref_squeeze %dma_wait3A_178 : memref<1x1x800xi32, #tpu.memory_space<vmem>> -> memref<800xi32, #tpu.memory_space<vmem>>
      %dma_wait3A_180 = arith.constant 0 : i32
      %dma_wait3A_181 = arith.constant 0 : i32
      %dma_wait3A_182 = tpu.memref_slice %arg6[%dma_wait3A_180, %dma_wait3A_181] : memref<100096x16xf32, #tpu.memory_space<vmem_shared>> -> memref<100096x16xf32, #tpu.memory_space<vmem_shared>>
      tpu.wait_indirect_dma semaphore(%run_scoped3A_170 : memref<!tpu.dma_semaphore, #tpu.memory_space<semaphore_mem>>) src(%arg8 : memref<800x16xf32, #tpu.memory_space<vmem>>) dst(%dma_wait3A_182 : memref<100096x16xf32, #tpu.memory_space<vmem_shared>>)
      tpu.yield
    }) : () -> ()
    %barrier3A_169 = arith.constant 0 : index
    tpu.barrier barrier_id(%barrier3A_169)
    "tpu.region"() ({
      %run_scoped3A_170 = tpu.sem_alloc : memref<!tpu.dma_semaphore, #tpu.memory_space<semaphore_mem>>
      %dma_start3A_171 = arith.constant 0 : i32
      %dma_start3A_172 = tpu.memref_slice %arg5[%arg0, %mul3A_0, %dma_start3A_171] : memref<2x100096x16xf32, #tpu.memory_space<hbm>> -> memref<1x6256x16xf32, #tpu.memory_space<hbm>>
      %dma_start3A_173 = tpu.memref_squeeze %dma_start3A_172 : memref<1x6256x16xf32, #tpu.memory_space<hbm>> -> memref<6256x16xf32, #tpu.memory_space<hbm>>
      %dma_start3A_174 = arith.constant 0 : i32
      %dma_start3A_175 = tpu.memref_slice %arg6[%mul3A_0, %dma_start3A_174] : memref<100096x16xf32, #tpu.memory_space<vmem_shared>> -> memref<6256x16xf32, #tpu.memory_space<vmem_shared>>
      tpu.enqueue_dma source(%dma_start3A_175 : memref<6256x16xf32, #tpu.memory_space<vmem_shared>>) target(%dma_start3A_173 : memref<6256x16xf32, #tpu.memory_space<hbm>>) target_semaphore(%run_scoped3A_170 : memref<!tpu.dma_semaphore, #tpu.memory_space<semaphore_mem>>)
      %dma_wait3A_176 = arith.constant 0 : i32
      %dma_wait3A_177 = tpu.memref_slice %arg5[%arg0, %mul3A_0, %dma_wait3A_176] : memref<2x100096x16xf32, #tpu.memory_space<hbm>> -> memref<1x6256x16xf32, #tpu.memory_space<hbm>>
      %dma_wait3A_178 = tpu.memref_squeeze %dma_wait3A_177 : memref<1x6256x16xf32, #tpu.memory_space<hbm>> -> memref<6256x16xf32, #tpu.memory_space<hbm>>
      %dma_wait3A_179 = arith.constant 0 : i32
      %dma_wait3A_180 = tpu.memref_slice %arg6[%mul3A_0, %dma_wait3A_179] : memref<100096x16xf32, #tpu.memory_space<vmem_shared>> -> memref<6256x16xf32, #tpu.memory_space<vmem_shared>>
      tpu.wait_dma2 semaphore(%run_scoped3A_170 : memref<!tpu.dma_semaphore, #tpu.memory_space<semaphore_mem>>) src(%dma_wait3A_180 : memref<6256x16xf32, #tpu.memory_space<vmem_shared>>) dst(%dma_wait3A_178 : memref<6256x16xf32, #tpu.memory_space<hbm>>)
      tpu.yield
    }) : () -> ()
    return
  }
}

module attributes {stable_mosaic.version = 14 : i64} {
  func.func @body(%arg0: memref<1564x128xf32, #tpu.memory_space<vmem>>, %arg1: memref<1024x128xf32, #tpu.memory_space<vmem>>, %arg2: memref<1024x128xf32, #tpu.memory_space<vmem>>, %arg3: memref<1x1024xf32, #tpu.memory_space<vmem>>, %arg4: memref<1564x1024xf32, #tpu.memory_space<vmem>>, %arg5: memref<1564x1024xf32, #tpu.memory_space<vmem>>) attributes {dimension_semantics = [], scalar_prefetch = 0 : i64, scratch_operands = 0 : i64, tpu.core_type = #tpu.core_type<tc>} {
    %get3A = arith.constant 0 : index
    %get3A_0 = arith.constant 0 : index
    %get3A_1 = vector.load %arg0[%get3A, %get3A_0] : memref<1564x128xf32, #tpu.memory_space<vmem>>, vector<1564x128xf32>
    %get3A_2 = arith.constant 0 : index
    %get3A_3 = arith.constant 0 : index
    %get3A_4 = vector.load %arg1[%get3A_2, %get3A_3] : memref<1024x128xf32, #tpu.memory_space<vmem>>, vector<1024x128xf32>
    %transpose3A = tpu.transpose %get3A_4, [1, 0] : vector<1024x128xf32> -> vector<128x1024xf32>
    %dot_general3A = arith.constant dense<0.000000e+00> : vector<1564x1024xf32>
    %dot_general3A_5 = tpu.matmul %get3A_1, %transpose3A, %dot_general3A {dimension_numbers = #tpu.dot_dimension_numbers<[1], [0], [0], [1], [0, 0, 1, 1], [], []>, transpose_lhs_hint = false} : vector<1564x128xf32>, vector<128x1024xf32>, vector<1564x1024xf32> -> vector<1564x1024xf32>
    %swap3A = arith.constant 0 : index
    %swap3A_6 = arith.constant 0 : index
    %swap3A_7 = vector.load %arg4[%swap3A, %swap3A_6] : memref<1564x1024xf32, #tpu.memory_space<vmem>>, vector<1564x1024xf32>
    tpu.vector_store %arg4[%swap3A, %swap3A_6], %dot_general3A_5 {strides = array<i32>} : memref<1564x1024xf32, #tpu.memory_space<vmem>>, vector<1564x1024xf32>,
    %get3A_8 = arith.constant 0 : index
    %get3A_9 = arith.constant 0 : index
    %get3A_10 = vector.load %arg2[%get3A_8, %get3A_9] : memref<1024x128xf32, #tpu.memory_space<vmem>>, vector<1024x128xf32>
    %transpose3A_11 = tpu.transpose %get3A_10, [1, 0] : vector<1024x128xf32> -> vector<128x1024xf32>
    %dot_general3A_12 = arith.constant dense<0.000000e+00> : vector<1564x1024xf32>
    %dot_general3A_13 = tpu.matmul %get3A_1, %transpose3A_11, %dot_general3A_12 {dimension_numbers = #tpu.dot_dimension_numbers<[1], [0], [0], [1], [0, 0, 1, 1], [], []>, transpose_lhs_hint = false} : vector<1564x128xf32>, vector<128x1024xf32>, vector<1564x1024xf32> -> vector<1564x1024xf32>
    %get3A_14 = arith.constant 0 : index
    %get3A_15 = arith.constant 0 : index
    %get3A_16 = vector.load %arg3[%get3A_14, %get3A_15] : memref<1x1024xf32, #tpu.memory_space<vmem>>, vector<1x1024xf32>
    %add3A = vector.broadcast %get3A_16 : vector<1x1024xf32> to vector<1564x1024xf32>
    %add3A_17 = arith.addf %dot_general3A_13, %add3A : vector<1564x1024xf32>
    %swap3A_18 = arith.constant 0 : index
    %swap3A_19 = arith.constant 0 : index
    %swap3A_20 = vector.load %arg5[%swap3A_18, %swap3A_19] : memref<1564x1024xf32, #tpu.memory_space<vmem>>, vector<1564x1024xf32>
    tpu.vector_store %arg5[%swap3A_18, %swap3A_19], %add3A_17 {strides = array<i32>} : memref<1564x1024xf32, #tpu.memory_space<vmem>>, vector<1564x1024xf32>,
    return
  }
}

module attributes {stable_mosaic.version = 14 : i64} {
  func.func @body(%arg0: i32, %arg1: memref<2x3128x128xf32, #tpu.memory_space<vmem>>, %arg2: memref<3128x128xf32, #tpu.memory_space<vmem>>, %arg3: memref<3128x128xf32, #tpu.memory_space<vmem>>) attributes {dimension_semantics = [#tpu.dimension_semantics<arbitrary>], iteration_bounds = array<i64: 4>, scalar_prefetch = 0 : i64, scratch_operands = 0 : i64, tpu.core_type = #tpu.core_type<tc>, window_params = [{transform_indices = @transform_0, window_bounds = array<i64: 2, 3128, 128>}, {transform_indices = @transform_1, window_bounds = array<i64: 3128, 128>}, {transform_indices = @transform_2, window_bounds = array<i64: 3128, 128>}]} {
    %get3A = arith.constant 0 : index
    %get3A_0 = arith.constant 0 : index
    %get3A_1 = arith.constant 0 : index
    %get3A_2 = vector.load %arg1[%get3A, %get3A_0, %get3A_1] : memref<2x3128x128xf32, #tpu.memory_space<vmem>>, vector<1x3128x128xf32>
    %get3A_3 = vector.shape_cast %get3A_2 : vector<1x3128x128xf32> to vector<3128x128xf32>
    %get3A_4 = arith.constant 1 : index
    %get3A_5 = arith.constant 0 : index
    %get3A_6 = arith.constant 0 : index
    %get3A_7 = vector.load %arg1[%get3A_4, %get3A_5, %get3A_6] : memref<2x3128x128xf32, #tpu.memory_space<vmem>>, vector<1x3128x128xf32>
    %get3A_8 = vector.shape_cast %get3A_7 : vector<1x3128x128xf32> to vector<3128x128xf32>
    %add3A = arith.addf %get3A_3, %get3A_8 : vector<3128x128xf32>
    %get3A_9 = arith.constant 0 : index
    %get3A_10 = arith.constant 0 : index
    %get3A_11 = vector.load %arg2[%get3A_9, %get3A_10] : memref<3128x128xf32, #tpu.memory_space<vmem>>, vector<3128x128xf32>
    %add3A_12 = arith.addf %add3A, %get3A_11 : vector<3128x128xf32>
    %gt3A = arith.constant 0.000000e+00 : f32
    %gt3A_13 = vector.broadcast %gt3A : f32 to vector<3128x128xf32>
    %gt3A_14 = arith.cmpf ogt, %add3A_12, %gt3A_13 : vector<3128x128xf32>
    %exp3A = math.exp %add3A_12 : vector<3128x128xf32>
    %sub3A = arith.constant 1.000000e+00 : f32
    %sub3A_15 = vector.broadcast %sub3A : f32 to vector<3128x128xf32>
    %sub3A_16 = arith.subf %exp3A, %sub3A_15 : vector<3128x128xf32>
    %select_n3A = arith.select %gt3A_14, %add3A_12, %sub3A_16 : vector<3128x128xi1>, vector<3128x128xf32>
    %swap3A = arith.constant 0 : index
    %swap3A_17 = arith.constant 0 : index
    %swap3A_18 = vector.load %arg3[%swap3A, %swap3A_17] : memref<3128x128xf32, #tpu.memory_space<vmem>>, vector<3128x128xf32>
    tpu.vector_store %arg3[%swap3A, %swap3A_17], %select_n3A {strides = array<i32>} : memref<3128x128xf32, #tpu.memory_space<vmem>>, vector<3128x128xf32>,
    return
  }
  func.func @transform_0(%arg0: i32) -> (i32, i32, i32) {
    %c0_i32 = arith.constant 0 : i32
    %c0_i32_0 = arith.constant 0 : i32
    %c0_i32_1 = arith.constant 0 : i32
    return %c0_i32, %arg0, %c0_i32_0 : i32, i32, i32
  }
  func.func @transform_1(%arg0: i32) -> (i32, i32) {
    %c0_i32 = arith.constant 0 : i32
    %c0_i32_0 = arith.constant 0 : i32
    return %arg0, %c0_i32 : i32, i32
  }
  func.func @transform_2(%arg0: i32) -> (i32, i32) {
    %c0_i32 = arith.constant 0 : i32
    %c0_i32_0 = arith.constant 0 : i32
    return %arg0, %c0_i32 : i32, i32
  }
}

module attributes {stable_mosaic.version = 14 : i64} {
  func.func @body(%arg0: i32, %arg1: memref<2x3128x128xf32, #tpu.memory_space<vmem>>, %arg2: memref<3128x128xf32, #tpu.memory_space<vmem>>, %arg3: memref<256x128xf32, #tpu.memory_space<vmem>>, %arg4: memref<1x256xf32, #tpu.memory_space<vmem>>, %arg5: memref<256x128xf32, #tpu.memory_space<vmem>>, %arg6: memref<16x32xf32, #tpu.memory_space<vmem>>, %arg7: memref<1x16xf32, #tpu.memory_space<vmem>>, %arg8: memref<8x16xf32, #tpu.memory_space<vmem>>, %arg9: memref<1x8xf32, #tpu.memory_space<vmem>>, %arg10: memref<1x8xf32, #tpu.memory_space<vmem>>, %arg11: memref<1x1xf32, #tpu.memory_space<vmem>>, %arg12: memref<1x1xf32, #tpu.memory_space<vmem>>, %arg13: memref<1x256xf32, #tpu.memory_space<vmem>>) attributes {dimension_semantics = [#tpu.dimension_semantics<arbitrary>], iteration_bounds = array<i64: 4>, scalar_prefetch = 0 : i64, scratch_operands = 1 : i64, tpu.core_type = #tpu.core_type<tc>, window_params = [{transform_indices = @transform_0, window_bounds = array<i64: 2, 3128, 128>}, {transform_indices = @transform_1, window_bounds = array<i64: 3128, 128>}, {pipeline_mode = #tpu.pipeline_mode<synchronous>, transform_indices = @transform_2, window_bounds = array<i64: 256, 128>}, {pipeline_mode = #tpu.pipeline_mode<synchronous>, transform_indices = @transform_3, window_bounds = array<i64: 1, 256>}, {pipeline_mode = #tpu.pipeline_mode<synchronous>, transform_indices = @transform_4, window_bounds = array<i64: 256, 128>}, {pipeline_mode = #tpu.pipeline_mode<synchronous>, transform_indices = @transform_5, window_bounds = array<i64: 16, 32>}, {pipeline_mode = #tpu.pipeline_mode<synchronous>, transform_indices = @transform_6, window_bounds = array<i64: 1, 16>}, {pipeline_mode = #tpu.pipeline_mode<synchronous>, transform_indices = @transform_7, window_bounds = array<i64: 8, 16>}, {pipeline_mode = #tpu.pipeline_mode<synchronous>, transform_indices = @transform_8, window_bounds = array<i64: 1, 8>}, {pipeline_mode = #tpu.pipeline_mode<synchronous>, transform_indices = @transform_9, window_bounds = array<i64: 1, 8>}, {pipeline_mode = #tpu.pipeline_mode<synchronous>, transform_indices = @transform_10, window_bounds = array<i64: 1, 1>}, {pipeline_mode = #tpu.pipeline_mode<synchronous>, transform_indices = @transform_11, window_bounds = array<i64: 1, 1>}]} {
    %get3A = arith.constant 0 : index
    %get3A_0 = arith.constant 0 : index
    %get3A_1 = arith.constant 0 : index
    %get3A_2 = vector.load %arg1[%get3A, %get3A_0, %get3A_1] : memref<2x3128x128xf32, #tpu.memory_space<vmem>>, vector<1x3128x128xf32>
    %get3A_3 = vector.shape_cast %get3A_2 : vector<1x3128x128xf32> to vector<3128x128xf32>
    %get3A_4 = arith.constant 1 : index
    %get3A_5 = arith.constant 0 : index
    %get3A_6 = arith.constant 0 : index
    %get3A_7 = vector.load %arg1[%get3A_4, %get3A_5, %get3A_6] : memref<2x3128x128xf32, #tpu.memory_space<vmem>>, vector<1x3128x128xf32>
    %get3A_8 = vector.shape_cast %get3A_7 : vector<1x3128x128xf32> to vector<3128x128xf32>
    %add3A = arith.addf %get3A_3, %get3A_8 : vector<3128x128xf32>
    %get3A_9 = arith.constant 0 : index
    %get3A_10 = arith.constant 0 : index
    %get3A_11 = vector.load %arg3[%get3A_9, %get3A_10] : memref<256x128xf32, #tpu.memory_space<vmem>>, vector<256x128xf32>
    %transpose3A = tpu.transpose %get3A_11, [1, 0] : vector<256x128xf32> -> vector<128x256xf32>
    %dot_general3A = arith.constant dense<0.000000e+00> : vector<3128x256xf32>
    %dot_general3A_12 = tpu.matmul %add3A, %transpose3A, %dot_general3A {dimension_numbers = #tpu.dot_dimension_numbers<[1], [0], [0], [1], [0, 0, 1, 1], [], []>, transpose_lhs_hint = false} : vector<3128x128xf32>, vector<128x256xf32>, vector<3128x256xf32> -> vector<3128x256xf32>
    %get3A_13 = arith.constant 0 : index
    %get3A_14 = arith.constant 0 : index
    %get3A_15 = vector.load %arg2[%get3A_13, %get3A_14] : memref<3128x128xf32, #tpu.memory_space<vmem>>, vector<3128x128xf32>
    %get3A_16 = arith.constant 0 : index
    %get3A_17 = arith.constant 0 : index
    %get3A_18 = vector.load %arg5[%get3A_16, %get3A_17] : memref<256x128xf32, #tpu.memory_space<vmem>>, vector<256x128xf32>
    %transpose3A_19 = tpu.transpose %get3A_18, [1, 0] : vector<256x128xf32> -> vector<128x256xf32>
    %dot_general3A_20 = arith.constant dense<0.000000e+00> : vector<3128x256xf32>
    %dot_general3A_21 = tpu.matmul %get3A_15, %transpose3A_19, %dot_general3A_20 {dimension_numbers = #tpu.dot_dimension_numbers<[1], [0], [0], [1], [0, 0, 1, 1], [], []>, transpose_lhs_hint = false} : vector<3128x128xf32>, vector<128x256xf32>, vector<3128x256xf32> -> vector<3128x256xf32>
    %add3A_22 = arith.addf %dot_general3A_12, %dot_general3A_21 : vector<3128x256xf32>
    %get3A_23 = arith.constant 0 : index
    %get3A_24 = arith.constant 0 : index
    %get3A_25 = vector.load %arg4[%get3A_23, %get3A_24] : memref<1x256xf32, #tpu.memory_space<vmem>>, vector<1x256xf32>
    %add3A_26 = vector.broadcast %get3A_25 : vector<1x256xf32> to vector<3128x256xf32>
    %add3A_27 = arith.addf %add3A_22, %add3A_26 : vector<3128x256xf32>
    %iota3A = tpu.iota {dimensions = array<i32: 0>} : vector<3128x256xi32>
    %mul3A = arith.constant 3128 : i32
    %mul3A_28 = arith.muli %arg0, %mul3A : i32
    %add3A_29 = vector.broadcast %mul3A_28 : i32 to vector<3128x256xi32>
    %add3A_30 = arith.addi %iota3A, %add3A_29 : vector<3128x256xi32>
    %lt3A = arith.constant 12500 : i32
    %lt3A_31 = vector.broadcast %lt3A : i32 to vector<3128x256xi32>
    %lt3A_32 = arith.cmpi slt, %add3A_30, %lt3A_31 : vector<3128x256xi32>
    %jit3A = arith.constant 0xFF800000 : f32
    %broadcast_in_dim3A = vector.broadcast %jit3A : f32 to vector<3128x256xf32>
    %select_n3A = arith.select %lt3A_32, %add3A_27, %broadcast_in_dim3A : vector<3128x256xi1>, vector<3128x256xf32>
    %reduce_max3A = arith.constant dense<0xFF800000> : vector<256xf32>
    %reduce_max3A_33 = vector.multi_reduction <maximumf>, %select_n3A, %reduce_max3A [0] : vector<3128x256xf32> to vector<256xf32>
    %broadcast_in_dim3A_34 = vector.shape_cast %reduce_max3A_33 : vector<256xf32> to vector<1x256xf32>
    %eq3A = arith.constant 0 : i32
    %eq3A_35 = arith.cmpi eq, %arg0, %eq3A : i32
    %convert_element_type3A = arith.extui %eq3A_35 : i1 to i32
    %cond3A = arith.constant 0 : i32
    %cond3A_36 = arith.cmpi ne, %convert_element_type3A, %cond3A : i32
    scf.if %cond3A_36 {
      %swap3A = arith.constant 0 : index
      %swap3A_46 = arith.constant 0 : index
      %swap3A_47 = vector.load %arg13[%swap3A, %swap3A_46] : memref<1x256xf32, #tpu.memory_space<vmem>>, vector<1x256xf32>
      tpu.vector_store %arg13[%swap3A, %swap3A_46], %broadcast_in_dim3A_34 {strides = array<i32>} : memref<1x256xf32, #tpu.memory_space<vmem>>, vector<1x256xf32>,
    } else {
    }
    %gt3A = arith.constant 0 : i32
    %gt3A_37 = arith.cmpi sgt, %arg0, %gt3A : i32
    %convert_element_type3A_38 = arith.extui %gt3A_37 : i1 to i32
    %cond3A_39 = arith.constant 0 : i32
    %cond3A_40 = arith.cmpi ne, %convert_element_type3A_38, %cond3A_39 : i32
    scf.if %cond3A_40 {
      %get3A_46 = arith.constant 0 : index
      %get3A_47 = arith.constant 0 : index
      %get3A_48 = vector.load %arg13[%get3A_46, %get3A_47] : memref<1x256xf32, #tpu.memory_space<vmem>>, vector<1x256xf32>
      %max3A = arith.maximumf %get3A_48, %broadcast_in_dim3A_34 : vector<1x256xf32>
      %swap3A = arith.constant 0 : index
      %swap3A_49 = arith.constant 0 : index
      %swap3A_50 = vector.load %arg13[%swap3A, %swap3A_49] : memref<1x256xf32, #tpu.memory_space<vmem>>, vector<1x256xf32>
      tpu.vector_store %arg13[%swap3A, %swap3A_49], %max3A {strides = array<i32>} : memref<1x256xf32, #tpu.memory_space<vmem>>, vector<1x256xf32>,
    } else {
    }
    %eq3A_41 = arith.constant 3 : i32
    %eq3A_42 = arith.cmpi eq, %arg0, %eq3A_41 : i32
    %convert_element_type3A_43 = arith.extui %eq3A_42 : i1 to i32
    %cond3A_44 = arith.constant 0 : i32
    %cond3A_45 = arith.cmpi ne, %convert_element_type3A_43, %cond3A_44 : i32
    scf.if %cond3A_45 {
      %get3A_46 = arith.constant 0 : index
      %get3A_47 = arith.constant 0 : index
      %get3A_48 = vector.load %arg13[%get3A_46, %get3A_47] : memref<1x256xf32, #tpu.memory_space<vmem>>, vector<1x256xf32>
      %slice3A = vector.extract_strided_slice %get3A_48 {offsets = [0, 0], sizes = [1, 32], strides = [1, 1]} : vector<1x256xf32> to vector<1x32xf32>
      %slice3A_49 = vector.extract_strided_slice %get3A_48 {offsets = [0, 32], sizes = [1, 32], strides = [1, 1]} : vector<1x256xf32> to vector<1x32xf32>
      %max3A = arith.maximumf %slice3A, %slice3A_49 : vector<1x32xf32>
      %slice3A_50 = vector.extract_strided_slice %get3A_48 {offsets = [0, 64], sizes = [1, 32], strides = [1, 1]} : vector<1x256xf32> to vector<1x32xf32>
      %max3A_51 = arith.maximumf %max3A, %slice3A_50 : vector<1x32xf32>
      %slice3A_52 = vector.extract_strided_slice %get3A_48 {offsets = [0, 96], sizes = [1, 32], strides = [1, 1]} : vector<1x256xf32> to vector<1x32xf32>
      %max3A_53 = arith.maximumf %max3A_51, %slice3A_52 : vector<1x32xf32>
      %slice3A_54 = vector.extract_strided_slice %get3A_48 {offsets = [0, 128], sizes = [1, 32], strides = [1, 1]} : vector<1x256xf32> to vector<1x32xf32>
      %max3A_55 = arith.maximumf %max3A_53, %slice3A_54 : vector<1x32xf32>
      %slice3A_56 = vector.extract_strided_slice %get3A_48 {offsets = [0, 160], sizes = [1, 32], strides = [1, 1]} : vector<1x256xf32> to vector<1x32xf32>
      %max3A_57 = arith.maximumf %max3A_55, %slice3A_56 : vector<1x32xf32>
      %slice3A_58 = vector.extract_strided_slice %get3A_48 {offsets = [0, 192], sizes = [1, 32], strides = [1, 1]} : vector<1x256xf32> to vector<1x32xf32>
      %max3A_59 = arith.maximumf %max3A_57, %slice3A_58 : vector<1x32xf32>
      %slice3A_60 = vector.extract_strided_slice %get3A_48 {offsets = [0, 224], sizes = [1, 32], strides = [1, 1]} : vector<1x256xf32> to vector<1x32xf32>
      %max3A_61 = arith.maximumf %max3A_59, %slice3A_60 : vector<1x32xf32>
      %get3A_62 = arith.constant 0 : index
      %get3A_63 = arith.constant 0 : index
      %get3A_64 = vector.load %arg6[%get3A_62, %get3A_63] : memref<16x32xf32, #tpu.memory_space<vmem>>, vector<16x32xf32>
      %transpose3A_65 = tpu.transpose %get3A_64, [1, 0] : vector<16x32xf32> -> vector<32x16xf32>
      %dot_general3A_66 = arith.constant dense<0.000000e+00> : vector<1x16xf32>
      %dot_general3A_67 = tpu.matmul %max3A_61, %transpose3A_65, %dot_general3A_66 {dimension_numbers = #tpu.dot_dimension_numbers<[1], [0], [0], [1], [0, 0, 1, 1], [], []>, transpose_lhs_hint = false} : vector<1x32xf32>, vector<32x16xf32>, vector<1x16xf32> -> vector<1x16xf32>
      %get3A_68 = arith.constant 0 : index
      %get3A_69 = arith.constant 0 : index
      %get3A_70 = vector.load %arg7[%get3A_68, %get3A_69] : memref<1x16xf32, #tpu.memory_space<vmem>>, vector<1x16xf32>
      %add3A_71 = arith.addf %dot_general3A_67, %get3A_70 : vector<1x16xf32>
      %max3A_72 = arith.constant 0.000000e+00 : f32
      %max3A_73 = vector.broadcast %max3A_72 : f32 to vector<1x16xf32>
      %max3A_74 = arith.maximumf %add3A_71, %max3A_73 : vector<1x16xf32>
      %get3A_75 = arith.constant 0 : index
      %get3A_76 = arith.constant 0 : index
      %get3A_77 = vector.load %arg8[%get3A_75, %get3A_76] : memref<8x16xf32, #tpu.memory_space<vmem>>, vector<8x16xf32>
      %transpose3A_78 = tpu.transpose %get3A_77, [1, 0] : vector<8x16xf32> -> vector<16x8xf32>
      %dot_general3A_79 = arith.constant dense<0.000000e+00> : vector<1x8xf32>
      %dot_general3A_80 = tpu.matmul %max3A_74, %transpose3A_78, %dot_general3A_79 {dimension_numbers = #tpu.dot_dimension_numbers<[1], [0], [0], [1], [0, 0, 1, 1], [], []>, transpose_lhs_hint = false} : vector<1x16xf32>, vector<16x8xf32>, vector<1x8xf32> -> vector<1x8xf32>
      %get3A_81 = arith.constant 0 : index
      %get3A_82 = arith.constant 0 : index
      %get3A_83 = vector.load %arg9[%get3A_81, %get3A_82] : memref<1x8xf32, #tpu.memory_space<vmem>>, vector<1x8xf32>
      %add3A_84 = arith.addf %dot_general3A_80, %get3A_83 : vector<1x8xf32>
      %max3A_85 = arith.constant 0.000000e+00 : f32
      %max3A_86 = vector.broadcast %max3A_85 : f32 to vector<1x8xf32>
      %max3A_87 = arith.maximumf %add3A_84, %max3A_86 : vector<1x8xf32>
      %get3A_88 = arith.constant 0 : index
      %get3A_89 = arith.constant 0 : index
      %get3A_90 = vector.load %arg10[%get3A_88, %get3A_89] : memref<1x8xf32, #tpu.memory_space<vmem>>, vector<1x8xf32>
      %mul3A_91 = arith.mulf %max3A_87, %get3A_90 : vector<1x8xf32>
      %reduce_sum3A = arith.constant dense<0.000000e+00> : vector<1xf32>
      %reduce_sum3A_92 = vector.multi_reduction <add>, %mul3A_91, %reduce_sum3A [1] : vector<1x8xf32> to vector<1xf32>
      %broadcast_in_dim3A_93 = vector.shape_cast %reduce_sum3A_92 : vector<1xf32> to vector<1x1xf32>
      %get3A_94 = arith.constant 0 : index
      %get3A_95 = arith.constant 0 : index
      %get3A_96 = vector.load %arg11[%get3A_94, %get3A_95] : memref<1x1xf32, #tpu.memory_space<vmem>>, vector<1x1xf32>
      %add3A_97 = arith.addf %broadcast_in_dim3A_93, %get3A_96 : vector<1x1xf32>
      %swap3A = arith.constant 0 : index
      %swap3A_98 = arith.constant 0 : index
      %swap3A_99 = vector.load %arg12[%swap3A, %swap3A_98] : memref<1x1xf32, #tpu.memory_space<vmem>>, vector<1x1xf32>
      tpu.vector_store %arg12[%swap3A, %swap3A_98], %add3A_97 {strides = array<i32>} : memref<1x1xf32, #tpu.memory_space<vmem>>, vector<1x1xf32>,
    } else {
    }
    return
  }
  func.func @transform_0(%arg0: i32) -> (i32, i32, i32) {
    %c0_i32 = arith.constant 0 : i32
    %c0_i32_0 = arith.constant 0 : i32
    %c0_i32_1 = arith.constant 0 : i32
    return %c0_i32, %arg0, %c0_i32_0 : i32, i32, i32
  }
  func.func @transform_1(%arg0: i32) -> (i32, i32) {
    %c0_i32 = arith.constant 0 : i32
    %c0_i32_0 = arith.constant 0 : i32
    return %arg0, %c0_i32 : i32, i32
  }
  func.func @transform_2(%arg0: i32) -> (i32, i32) {
    %c0_i32 = arith.constant 0 : i32
    %c0_i32_0 = arith.constant 0 : i32
    %c0_i32_1 = arith.constant 0 : i32
    return %c0_i32, %c0_i32_0 : i32, i32
  }
  func.func @transform_3(%arg0: i32) -> (i32, i32) {
    %c0_i32 = arith.constant 0 : i32
    %c0_i32_0 = arith.constant 0 : i32
    %c0_i32_1 = arith.constant 0 : i32
    return %c0_i32, %c0_i32_0 : i32, i32
  }
  func.func @transform_4(%arg0: i32) -> (i32, i32) {
    %c0_i32 = arith.constant 0 : i32
    %c0_i32_0 = arith.constant 0 : i32
    %c0_i32_1 = arith.constant 0 : i32
    return %c0_i32, %c0_i32_0 : i32, i32
  }
  func.func @transform_5(%arg0: i32) -> (i32, i32) {
    %c0_i32 = arith.constant 0 : i32
    %c0_i32_0 = arith.constant 0 : i32
    %c0_i32_1 = arith.constant 0 : i32
    return %c0_i32, %c0_i32_0 : i32, i32
  }
  func.func @transform_6(%arg0: i32) -> (i32, i32) {
    %c0_i32 = arith.constant 0 : i32
    %c0_i32_0 = arith.constant 0 : i32
    %c0_i32_1 = arith.constant 0 : i32
    return %c0_i32, %c0_i32_0 : i32, i32
  }
  func.func @transform_7(%arg0: i32) -> (i32, i32) {
    %c0_i32 = arith.constant 0 : i32
    %c0_i32_0 = arith.constant 0 : i32
    %c0_i32_1 = arith.constant 0 : i32
    return %c0_i32, %c0_i32_0 : i32, i32
  }
  func.func @transform_8(%arg0: i32) -> (i32, i32) {
    %c0_i32 = arith.constant 0 : i32
    %c0_i32_0 = arith.constant 0 : i32
    %c0_i32_1 = arith.constant 0 : i32
    return %c0_i32, %c0_i32_0 : i32, i32
  }
  func.func @transform_9(%arg0: i32) -> (i32, i32) {
    %c0_i32 = arith.constant 0 : i32
    %c0_i32_0 = arith.constant 0 : i32
    %c0_i32_1 = arith.constant 0 : i32
    return %c0_i32, %c0_i32_0 : i32, i32
  }
  func.func @transform_10(%arg0: i32) -> (i32, i32) {
    %c0_i32 = arith.constant 0 : i32
    %c0_i32_0 = arith.constant 0 : i32
    %c0_i32_1 = arith.constant 0 : i32
    return %c0_i32, %c0_i32_0 : i32, i32
  }
  func.func @transform_11(%arg0: i32) -> (i32, i32) {
    %c0_i32 = arith.constant 0 : i32
    %c0_i32_0 = arith.constant 0 : i32
    %c0_i32_1 = arith.constant 0 : i32
    return %c0_i32, %c0_i32_0 : i32, i32
  }
}

</mosaic_0001>

<sc_bundles>
// kernel: kernel.10.cloned.1.call-start
scs
__scs_entry_jumppad:
0x0: {  	(pc) =	sbr.rel $0x88, $3  }
0x1: {  	(tag) =	ssettag $0x0;
	lr =	simm.s32 $0x1  }
0x2: {  	[smem:$0x3F93] =	sst lr;
	_ =	strace $0xD0000000  }
0x3: {  	_ = 	snop  }
0x4: {  	_ = 	snop  }
0x5: {  	_ = 	snop  }
0x6: {  	_ = 	snop  }
0x7: {  	_ = 	snop  }
__scs_overlays_trampoline_lowered:
0x8: {  	[smem:$0x3FA2] =	sst s0  }
0x9: {  	[smem:$0x3FA3] =	sst s1  }
0xa: {  	[smem:$0x3FA4] =	sst s2  }
0xb: {  	[smem:$0x3FA5] =	sst s3  }
0xc: {  	[smem:$0x3FA6] =	sst s4  }
0xd: {  	[smem:$0x3FA7] =	sst s5  }
0xe: {  	[smem:$0x3FA8] =	sst s6  }
0xf: {  	[smem:$0x3FA9] =	sst s7  }
0x10: {  	[smem:$0x3FAA] =	sst s8  }
0x11: {  	[smem:$0x3FAB] =	sst s9;
	s0 =	simm.s32 @!p0 $0x0  }
0x12: {  	s1 =	sld [smem:$0x3F91];
	s0 =	simm.s32 @p0 $0x1  }
0x13: {  	[smem:$0x3FAC] =	sst s0;
	s0 =	simm.s32 @!p1 $0x0  }
0x14: {  	s2 =	sld [smem:$0x3F90];
	s0 =	simm.s32 @p1 $0x1  }
0x15: {  	[smem:$0x3FAD] =	sst s0;
	s0 =	simm.s32 @!p2 $0x0  }
0x16: {  	s3 =	sld [smem:$0x3FDB];
	s0 =	simm.s32 @p2 $0x1  }
0x17: {  	s4 =	simm.s32 $0x1BF5;
	[smem:$0x3FAF] =	sst s0  }
0x18: {  	s0 =	sld [smem:$0x3F92];
	_ =	swait.ge [sflag:s4], $0x0  }
0x19: {  	s7 =	sld [smem:$0x3F93]  }
0x1a: {  	s8 =	sadd.s32 $0xFFFFE003, lr  }
0x1b: {  	s9 =	sadd.s32 $0xFFFFFEF7, lr;
	s5 =	simm.s32 $0xFFFFFFFF;
	p2 =	slt.u32 s8, $0xFFFFF086  }
0x1c: {  	p1 =	slt.u32 s9, $0xF7A;
	s5 =	simm.s32 @!p2 $0x0  }
0x1d: {  	s5 =	simm.s32 @p1 $0x1;
	p0 =	seq.s32 s7, s2  }
0x1e: {  	s7 =	smul.u32 @!p0 $0xF7A, s2;
	p2 =	seq.s32 @!p0 s5, $0x0  }
0x1f: {  	s9 =	smul.u32 $0xF7A, s1;
	s8 =	simm.s32 @!p0 $0x1BF5;
	p2 =	por !p2, p0  }
0x20: {  	[sflag:s8] =	ssyncset.s32 @!p0 $0xFFFFF086;
	s6 =	sadd.s32 @!p0 s3, s7;
	s7 =	simm.s32 @!p0 $0x108  }
0x21: {  	s3 =	sadd.s32 s3, s9;
	s6 =	sadd.s32 @!p0 $0x88, s6;
	s7 =	simm.s32 @p2 $0x1082  }
0x22: {  	[simem:s7], [sflag:s8] =	dma.local @!p0 [hbm:s6], $0xF7A  }
0x23: {  	s9 =	sor.u32 $0xD0000000, s2;
	s6 =	simm.s32 $0x108;
	_ =	swait.ge @!p0 [sflag:s8], $0x0  }
0x24: {  	s3 =	sadd.s32 $0x88, s3;
	s6 =	simm.s32 @!p1 $0x1082;
	[sflag:s4] =	ssyncset.s32 $0xFFFFF086  }
0x25: {  	[simem:s6], [sflag:s4] =	dma.local [hbm:s3], $0xF7A  }
0x26: {  	[smem:$0x3F93] =	sst s1;
	(tag) =	ssettag s2;
	_ =	strace s9  }
0x27: {  	s1 =	sld [smem:$0x3FA3]  }
0x28: {  	s2 =	sld [smem:$0x3FA4]  }
0x29: {  	s4 =	sld [smem:$0x3FA6]  }
0x2a: {  	p0 =	seq.s32 s5, $0x0;
	s5 =	sld [smem:$0x3FA7]  }
0x2b: {  	s6 =	sld [smem:$0x3FA8]  }
0x2c: {  	s7 =	sld [smem:$0x3FA9]  }
0x2d: {  	s3 =	simm.s32 $0x108;
	s8 =	sld [smem:$0x3FAA]  }
0x2e: {  	s3 =	simm.s32 @!p0 $0x1082;
	s9 =	sld [smem:$0x3FAB]  }
0x2f: {  	lr =	sadd.s32 s0, s3;
	s0 =	sld [smem:$0x3FA2]  }
0x30: {  	s3 =	sld [smem:$0x3FA5]  }
0x31: {  	[smem:$0x3FAE] =	sst s10  }
0x32: {  	s10 =	sld [smem:$0x3FAC];
	_ =	sdelay $0x3  }
0x33: {  	p0 =	seq.s32 s10, $0x1;
	s10 =	sld [smem:$0x3FAE];
	_ =	sdelay $0x3  }
0x34: {  	[smem:$0x3FAE] =	sst s10  }
0x35: {  	s10 =	sld [smem:$0x3FAD];
	_ =	sdelay $0x3  }
0x36: {  	p1 =	seq.s32 s10, $0x1;
	s10 =	sld [smem:$0x3FAE];
	_ =	sdelay $0x3  }
0x37: {  	[smem:$0x3FAE] =	sst s10  }
0x38: {  	s10 =	sld [smem:$0x3FAF]  }
0x39: {  	_ = 	snop;
	(pc) =	sbr.ind lr, $3  }
0x3a: {  	_ = 	snop  }
0x3b: {  	_ = 	snop  }
0x3c: {  	p2 =	seq.s32 s10, $0x1;
	s10 =	sld [smem:$0x3FAE]  }
0x3d: {  	_ =	shalt  }
0x3e: {  	_ =	shalt  }
0x3f: {  	_ =	shalt  }
0x40: {  	_ =	shalt  }
0x41: {  	_ =	shalt  }
0x42: {  	_ =	shalt  }
0x43: {  	_ =	shalt  }
0x44: {  	_ =	shalt  }
0x45: {  	_ =	shalt  }
0x46: {  	_ =	shalt  }
0x47: {  	_ =	shalt  }
0x48: {  	_ =	shalt  }
0x49: {  	_ =	shalt  }
0x4a: {  	_ =	shalt  }
0x4b: {  	_ =	shalt  }
0x4c: {  	_ =	shalt  }
0x4d: {  	_ =	shalt  }
0x4e: {  	_ =	shalt  }
0x4f: {  	_ =	shalt  }
0x50: {  	_ =	shalt  }
0x51: {  	_ =	shalt  }
0x52: {  	_ =	shalt  }
0x53: {  	_ =	shalt  }
0x54: {  	_ =	shalt  }
0x55: {  	_ =	shalt  }
0x56: {  	_ =	shalt  }
0x57: {  	_ =	shalt  }
0x58: {  	_ =	shalt  }
0x59: {  	_ =	shalt  }
0x5a: {  	_ =	shalt  }
0x5b: {  	_ =	shalt  }
0x5c: {  	_ =	shalt  }
0x5d: {  	_ =	shalt  }
0x5e: {  	_ =	shalt  }
0x5f: {  	_ =	shalt  }
0x60: {  	_ =	shalt  }
0x61: {  	_ =	shalt  }
0x62: {  	_ =	shalt  }
0x63: {  	_ =	shalt  }
0x64: {  	_ =	shalt  }
0x65: {  	_ =	shalt  }
0x66: {  	_ =	shalt  }
0x67: {  	_ =	shalt  }
0x68: {  	_ =	shalt  }
0x69: {  	_ =	shalt  }
0x6a: {  	_ =	shalt  }
0x6b: {  	_ =	shalt  }
0x6c: {  	_ =	shalt  }
0x6d: {  	_ =	shalt  }
0x6e: {  	_ =	shalt  }
0x6f: {  	_ =	shalt  }
0x70: {  	_ =	shalt  }
0x71: {  	_ =	shalt  }
0x72: {  	_ =	shalt  }
0x73: {  	_ =	shalt  }
0x74: {  	_ =	shalt  }
0x75: {  	_ =	shalt  }
0x76: {  	_ =	shalt  }
0x77: {  	_ =	shalt  }
0x78: {  	_ =	shalt  }
0x79: {  	_ =	shalt  }
0x7a: {  	_ =	shalt  }
0x7b: {  	_ =	shalt  }
0x7c: {  	_ =	shalt  }
0x7d: {  	_ =	shalt  }
0x7e: {  	_ =	shalt  }
0x7f: {  	_ =	shalt  }
0x80: {  	_ =	shalt  }
0x81: {  	_ =	shalt  }
0x82: {  	_ =	shalt  }
0x83: {  	_ =	shalt  }
0x84: {  	_ =	shalt  }
0x85: {  	_ =	shalt  }
0x86: {  	_ =	shalt  }
0x87: {  	_ =	shalt  }
.Lfunc_end0:
.L_simem_size_0:
called_computation.1_lowered:
.L_overlay_start_0:
0x88: {  	s2 =	sld [smem:$0x3FD9]  }
0x89: {  	s3 =	sld [smem:$0x3FFE];
	_ =	sdelay $0x1  }
0x8a: {  	s1 =	srdreg.scid  }
0x8b: {  	s0 =	sand.u32 $0x1, s1  }
0x8c: {  	s16 =	sshll.u32 s0, $0xA;
	s2 =	sadd.s32 s3, s2  }
0x8d: {  	s2 =	sadd.s32 s2, s16  }
0x8e: {  	[smem:$0x3FBA] =	sst s2  }
0x8f: {  	_ = 	snop  }
0x90: {  	(tm) =	ssettm $0x1  }
0x91: {  	s17 =	sld [smem:$0x3FFB];
	_ =	sdelay $0x3  }
0x92: {  	_ =	strace s17  }
0x93: {  	s2 =	sld [smem:$0x3FFC];
	_ =	sdelay $0x3  }
0x94: {  	_ =	strace s2  }
0x95: {  	s2 =	sld [smem:$0x3FFD];
	_ =	sdelay $0x3  }
0x96: {  	_ =	strace s2  }
0x97: {  	_ =	strace $0x8FFFFFFF  }
0x98: {  	s18 =	sld [smem:$0x3FDB];
	_ =	sdelay $0x1  }
0x99: {  	s19 =	simm.s32 $_scs_section_size  }
0x9a: {  	s4 =	simm.s32 $_size__tile_overlayer_lowered;
	s5 =	simm.s32 $_tile_overlayer_lowered  }
0x9b: {  	s22 =	simm.s32 $0x1BFF;
	s21 =	sshll.u32 s5, $0x1;
	s2 =	sadd.s32 s19, s18  }
0x9c: {  	s6 =	simm.s32 $0x0;
	s20 =	sshll.u32 s4, $0x1;
	s4 =	sadd.s32 s21, s2  }
0x9d: {  	[timem:s6], [sflag:s22] =	dma.local [hbm:s4], s20  }
0x9e: {  	_ =	swait.ge [sflag:s22], s20  }
0x9f: {  	s3 =	ssub.s32 $0x0, s20;
	[sflag:s22] =	ssyncset.done $0x0  }
0xa0: {  	[sflag:s22] =	ssyncadd.s32 s3;
	_ =	sdelay $0x1  }
0xa1: {  	s23 =	simm.s32 $0x1B8B  }
0xa2: {  	_ =	swait.ge [sflag:s23], $0x1  }
0xa3: {  	[sflag:s23] =	ssyncset.done $0x0  }
0xa4: {  	s25 =	simm.s32 $0x1B8E;
	s24 =	sld [smem:$0x3FFE];
	[sflag:s23] =	ssyncadd.s32 $0xFFFFFFFF  }
0xa5: {  	s26 =	simm.s32 $execute0_lowered;
	[smem:$0x3FD2] =	sst s25  }
0xa6: {  	s4 =	sshll.u32 s26, $0x1;
	_ =	strace $0x80000049;
	[dreg:$0x1] =	wrdreg $0xFFFFFFFF  }
0xa7: {  	s28 =	simm.s32 $_size_execute0_lowered;
	s2 =	sadd.s32 s2, s4;
	[dreg:$0x0] =	wrdreg $0x0  }
0xa8: {  	s4 =	sshll.u32 s28, $0x1;
	[dreg:$0x2] =	wrdreg s2  }
0xa9: {  	[dreg:$0x3] =	wrdreg s4  }
0xaa: {  	[dreg:$0x4] =	wrdreg $0xC0  }
0xab: {  	_ =	task [dreg:s6], $0x5FFFF  }
0xac: {  	[dreg:$0x1] =	wrdreg $0xFFFFFFFF  }
0xad: {  	[dreg:$0x0] =	wrdreg $0x60  }
0xae: {  	[dreg:$0x2] =	wrdreg s24  }
0xaf: {  	[dreg:$0x3] =	wrdreg $0x0  }
0xb0: {  	[dreg:$0x4] =	wrdreg $0x9  }
0xb1: {  	_ =	task.clear_ibuf [dreg:s6], $0x5FFFF;
	_ =	strace $0x90000049  }
0xb2: {  	s29 =	simm.s32 $0x9;
	_ =	strace $0x8000004B  }
0xb3: {  	_ =	swait.ge [sflag:s29], $0x1  }
0xb4: {  	[sflag:s29] =	ssyncadd.s32 $0xFFFFFFFF  }
0xb5: {  	_ =	strace $0x9000004B  }
0xb6: {  	_ =	sfence  }
0xb7: {  	s30 =	sld [smem:$0x0];
	_ =	sdelay $0x2  }
0xb8: {  	s31 =	sshll.u32 s1, $0xD;
	s1 =	sshrl.u32 s1, $0x2  }
0xb9: {  	s3 =	sand.u32 $0x4000, s31;
	s1 =	sadd.s32 s1, s30  }
0xba: {  	s0 =	sor.u32 s3, s0;
	s1 =	sshll.u32 s1, $0x11  }
0xbb: {  	s0 =	sor.u32 s1, s0  }
0xbc: {  	s0 =	sadd.s32 $0x8F2B, s0  }
0xbd: {  	[sflag:s0] =	ssyncadd.remote.s32 $0x1  }
0xbe: {  	_ =	sfence.sel $0xFFFF  }
0xbf: {  	[dreg:$0x0] =	wrdreg $0xFFFFFFFF;
	(pc) =	sbr.abs _section_cstart, $3  }
0xc0: {  	[dreg:$0x1] =	wrdreg $0xFFFFFFFF  }
0xc1: {  	_ =	task.clear_ibuf [dreg:s6], $0x2FFFF;
	_ =	strace $0x9FFFFFFF  }
0xc2: {  	(tm) =	ssettm $0x7FFFFFFF  }
0xc3: {  	_ =	shalt  }
tec
execute0_lowered:
.L_overlay_start_1:
0x0: {  	(tag) =	ssettag $0x1  }
0x1: {  	s0 =	rddreg [dreg:$0x0]  }
0x2: {  	s2 =	rddreg [dreg:$0x1];
	s3 =	simm.s32 $0x0;
	s11 =	stileid.u32  }
0x3: {  	s4 =	srdreg.scid;
	s28 =	simm.s32 $0x1;
	s29 =	simm.s32 $0x320  }
0x4: {  	s30 =	simm.s32 $0x199C0;
	s31 =	simm.s32 $0x1CBC0;
	[smem:$0x7FF] =	sst s3  }
0x5: {  	s1 =	smul.u32 $0x18700, s11;
	s6 =	sand.u32 $0x1, s4;
	s4 =	sadd.s32 $0x2A00, s0  }
0x6: {  	s18 =	sadd.s32 $0x33800, s0;
	s19 =	sshll.u32 s11, $0x6;
	s13 =	smul.u32 $0x186A0, s11  }
0x7: {  	_ =	strace $0x8000004A;
	s7 =	smul.u32 $0x187000, s6;
	s8 =	sshll.u32 s6, $0x4  }
0x8: {  	s9 =	ssub.s32 $0x2, s6;
	s12 =	smul.u32 $0x186A00, s6;
	s5 =	sshrl.u32 s1, $0x3  }
0x9: {  	s8 =	sor.u32 s11, s8;
	s10 =	sshrl.u32 s9, $0x1;
	s5 =	sadd.s32 s5, s0  }
0xa: {  	s7 =	sadd.s32 s1, s7;
	s8 =	smul.u32 $0x186A0, s8;
	s14 =	ssub.s32 s9, s10  }
0xb: {  	s1 =	sadd.s32 s1, s2;
	s16 =	sadd.s32 s13, s12;
	s7 =	sshrl.u32 s7, $0x3  }
0xc: {  	s5 =	sadd.s32 $0xF6E00, s5;
	s25 =	sadd.s32 $0x960, s16;
	s14 =	smax.u32 s14, $0x1  }
0xd: {  	s26 =	sadd.s32 $0xC80, s16;
	s0 =	sadd.s32 s7, s0;
	s17 =	sshrl.u32 s8, $0x3  }
0xe: {  	[dreg:$0x3] =	wrdreg s5;
	s6 =	sadd.s32 s18, s17;
	s0 =	sadd.s32 $0x127C00, s0  }
0xf: {  	s7 =	sor.u32 $0x1C06, s19;
	s20 =	sadd.s32 $0x61A80, s6;
	[dreg:$0x9] =	wrdreg s0  }
0x10: {  	s17 =	sadd.s32 $0x30DD60, s16;
	s21 =	sadd.s32 $0x64, s6;
	[dreg:$0x4] =	wrdreg s20  }
0x11: {  	s16 =	sadd.s32 $0x30E080, s16;
	s22 =	sadd.s32 $0x61AE4, s6;
	[dreg:$0x5] =	wrdreg s21  }
0x12: {  	s23 =	sadd.s32 $0xC8, s6;
	s24 =	sadd.s32 $0x61B48, s6;
	[dreg:$0x6] =	wrdreg s22  }
0x13: {  	s0 =	sshrl.u32 s25, $0x3;
	s17 =	sshrl.u32 s17, $0x3;
	[dreg:$0x7] =	wrdreg s23  }
.Ltmp0:
0x14: {  	s19 =	sshrl.u32 s16, $0x3;
	[dreg:$0x8] =	wrdreg s24;
	(pc) =	sbr.rel .LBB2_1-.Ltmp0, $4  }
0x15: {  	s15 =	sadd.s32 s0, s18;
	s0 =	sshrl.u32 s26, $0x3;
	s16 =	sadd.s32 s17, s18  }
0x16: {  	s20 =	simm.s32 $0x6;
	s21 =	simm.s32 $0x18700;
	s24 =	simm.s32 $0x19060  }
0x17: {  	s22 =	simm.s32 $0x0;
	s17 =	sadd.s32 s0, s18;
	s18 =	sadd.s32 s19, s18  }
0x18: {  	s19 =	sshrl.u32 s1, $0x3;
	s0 =	simm.s32 $0x4;
	s1 =	simm.s32 $0x5  }
.LBB2_4:
0x19: {  	_ =	swait.ge [sflag:s0], $0x3200  }
0x1a: {  	[sflag:s0] =	ssyncset.done $0x0  }
0x1b: {  	[sflag:s0] =	ssyncadd.s32 $0xFFFFCE00  }
0x1c: {  	[spmem:s2] =	stream.indirect.scatter.add.f32 [tilespmem:s30], [sflag:$0x6], $0x10, s24, s29, $0xb8;
	[tilespmem:$0x1FDC0] =	vst v63  }
0x1d: {  	_ =	swait.ge [sflag:s20], $0x3200  }
0x1e: {  	[sflag:s20] =	ssyncset.done $0x0  }
0x1f: {  	s22 =	sadd.s32 $0x1, s22;
	[sflag:s20] =	ssyncadd.s32 $0xFFFFCE00  }
0x20: {  	p0 =	sne.s32 s22, s14;
	[bflag:$0x0] =	sbarrier.arrive $0xFFFF  }
.Ltmp1:
0x21: {  	s5 =	rddreg [dreg:$0x9];
	(pc) =	sbr.rel @!p0 .LBB2_5-.Ltmp1, $4  }
0x22: {  	[hbm:s5], [sflag:s7] =	dma.local [spmem:s19], $0x30E0  }
0x23: {  	_ =	swait.ge [sflag:s20], $0x30E0  }
0x24: {  	[sflag:s20] =	ssyncset.done $0x0  }
0x25: {  	[sflag:s20] =	ssyncadd.s32 $0xFFFFCF20  }
.LBB2_1:
0x26: {  	s5 =	rddreg [dreg:$0x3]  }
0x27: {  	[spmem:s19], [sflag:s7] =	dma.local [hbm:s5], $0x30E0  }
0x28: {  	_ =	swait.ge [sflag:s20], $0x30E0  }
0x29: {  	[sflag:s20] =	ssyncset.done $0x0  }
0x2a: {  	[sflag:s20] =	ssyncadd.s32 $0xFFFFCF20  }
0x2b: {  	[bflag:$0x0] =	sbarrier.arrive $0xFFFF  }
0x2c: {  	[tilespmem:s21], [sflag:$0x1] =	stream.linear.gather [hbm4b:s6+s3], $0x320, $0x38;
	[tilespmem:$0x1FDC0] =	vst v63  }
0x2d: {  	s8 =	simm.s32 $0x18A20;
	s9 =	rddreg [dreg:$0x4]  }
0x2e: {  	[tilespmem:s8], [sflag:$0x1] =	stream.linear.gather [hbm4b:s9+s3], $0x320, $0x38;
	[tilespmem:$0x1FDC0] =	vst v63  }
0x2f: {  	s11 =	simm.s32 $0x18D40;
	s10 =	rddreg [dreg:$0x5]  }
0x30: {  	[tilespmem:s11], [sflag:$0x2] =	stream.linear.gather [hbm4b:s10+s3], $0x320, $0x38;
	[tilespmem:$0x1FDC0] =	vst v63  }
0x31: {  	s12 =	rddreg [dreg:$0x6]  }
0x32: {  	[tilespmem:s24], [sflag:$0x2] =	stream.linear.gather [hbm4b:s12+s3], $0x320, $0x38;
	[tilespmem:$0x1FDC0] =	vst v63  }
0x33: {  	s23 =	simm.s32 $0x19380;
	s13 =	rddreg [dreg:$0x7]  }
0x34: {  	[tilespmem:s23], [sflag:$0x3] =	stream.linear.gather [hbm4b:s13+s3], $0x320, $0x38;
	[tilespmem:$0x1FDC0] =	vst v63  }
0x35: {  	s26 =	simm.s32 $0x196A0;
	s25 =	rddreg [dreg:$0x8]  }
0x36: {  	[tilespmem:s26], [sflag:$0x3] =	stream.linear.gather [hbm4b:s25+s3], $0x320, $0x38;
	[tilespmem:$0x1FDC0] =	vst v63  }
0x37: {  	_ =	swait.ge [sflag:s28], $0x320  }
0x38: {  	[sflag:s28] =	ssyncset.done $0x0  }
0x39: {  	[sflag:s28] =	ssyncadd.s32 $0xFFFFFCE0  }
0x3a: {  	_ =	swait.ge [sflag:s28], $0x320  }
0x3b: {  	[sflag:s28] =	ssyncset.done $0x0  }
0x3c: {  	s23 =	simm.s32 $0x0;
	s26 =	simm.s32 $0x0;
	[sflag:s28] =	ssyncadd.s32 $0xFFFFFCE0  }
0x3d: {  	[tilespmem:s30], [sflag:$0x4] =	stream.indirect.gather [hbm4b:s4+s29], $0x10, s21, s29, $0xb8;
	[tilespmem:$0x1FDC0] =	vst v63  }
.LBB2_2:
0x3e: {  	s25 =	sor.u32 $0x1, s26  }
0x3f: {  	s5 =	sand.u32 $0xFF, s25  }
0x40: {  	s5 =	smul.u32 $0xAB, s5;
	_ =	sdelay $0x1  }
0x41: {  	s5 =	sshrl.u32 s5, $0x9  }
0x42: {  	s5 =	smul.u32 $0x3, s5;
	_ =	sdelay $0x1  }
0x43: {  	s5 =	ssub.s32 s25, s5  }
0x44: {  	s5 =	sand.u32 $0xFF, s5  }
0x45: {  	s9 =	sadd.s32 $0x1, s5  }
0x46: {  	_ =	swait.ge [sflag:s9], $0x320  }
0x47: {  	[sflag:s9] =	ssyncset.done $0x0  }
0x48: {  	s5 =	smul.u32 $0x1900, s5;
	[sflag:s9] =	ssyncadd.s32 $0xFFFFFCE0  }
0x49: {  	s10 =	smul.u32 $0xAB, s26;
	_ =	swait.ge [sflag:s9], $0x320  }
0x4a: {  	s5 =	sshrl.u32 s5, $0x2;
	[sflag:s9] =	ssyncset.done $0x0  }
0x4b: {  	s11 =	sshrl.u32 s10, $0x9;
	s8 =	sadd.s32 $0x18700, s5;
	[sflag:s9] =	ssyncadd.s32 $0xFFFFFCE0  }
0x4c: {  	[tilespmem:s31], [sflag:$0x5] =	stream.indirect.gather [hbm4b:s4+s29], $0x10, s8, s29, $0xb8;
	[tilespmem:$0x1FDC0] =	vst v63  }
0x4d: {  	s8 =	sand.u32 $0x7F, s11  }
0x4e: {  	s8 =	smul.u32 $0x3, s8  }
0x4f: {  	p0 =	seq.s32 s23, $0x2FA8  }
0x50: {  	s25 =	sadd.s32 @!p0 $0x3, s26;
	s8 =	ssub.s32 s26, s8  }
0x51: {  	s9 =	smul.u32 @!p0 $0xAB, s25;
	s8 =	sand.u32 $0xFF, s8  }
0x52: {  	s8 =	smul.u32 $0x1900, s8  }
0x53: {  	_ =	swait.ge [sflag:s0], $0x3200;
	s9 =	sshrl.u32 @!p0 s9, $0x9  }
0x54: {  	[sflag:s0] =	ssyncset.done $0x0;
	s9 =	sand.u32 @!p0 $0x7F, s9;
	s8 =	sshrl.u32 s8, $0x2  }
0x55: {  	[sflag:s0] =	ssyncadd.s32 $0xFFFFCE00;
	s9 =	smul.u32 @!p0 $0x3, s9;
	s8 =	sadd.s32 $0x18A20, s8  }
0x56: {  	[spmem:s2] =	stream.indirect.scatter.add.f32 [tilespmem:s30], [sflag:$0x6], $0x10, s8, s29, $0xb8;
	[tilespmem:$0x1FDC0] =	vst v63  }
0x57: {  	s8 =	ssub.s32 @!p0 s25, s9  }
0x58: {  	s8 =	sand.u32 @!p0 $0xFF, s8  }
0x59: {  	s12 =	sadd.s32 @!p0 s23, s15;
	s25 =	sadd.s32 $0x2, s26;
	s9 =	smul.u32 @!p0 $0x1900, s8  }
0x5a: {  	s13 =	simm.s32 @!p0 $0x0;
	_ =	swait.ge [sflag:s20], $0x3200;
	s11 =	sand.u32 $0xFF, s25  }
0x5b: {  	[sflag:s20] =	ssyncset.done $0x0;
	s8 =	sadd.s32 @!p0 $0x1, s8;
	s9 =	sshrl.u32 @!p0 s9, $0x2  }
0x5c: {  	s11 =	smul.u32 $0xAB, s11;
	[sflag:s20] =	ssyncadd.s32 $0xFFFFCE00;
	s10 =	sadd.s32 @!p0 $0x18700, s9  }
0x5d: {  	[tilespmem:s10], [sflag:s8] =	stream.linear.gather @!p0 [hbm4b:s12+s13], $0x320, $0x38;
	[tilespmem:$0x1FDC0] =	vst v63  }
0x5e: {  	s12 =	sshrl.u32 s11, $0x9  }
0x5f: {  	s9 =	sadd.s32 @!p0 $0x18A20, s9;
	s11 =	sadd.s32 @!p0 s23, s16;
	s10 =	smul.u32 $0x3, s12  }
0x60: {  	[tilespmem:s9], [sflag:s8] =	stream.linear.gather @!p0 [hbm4b:s11+s13], $0x320, $0x38;
	[tilespmem:$0x1FDC0] =	vst v63  }
0x61: {  	s12 =	ssub.s32 s25, s10  }
0x62: {  	s8 =	sand.u32 $0xFF, s12  }
0x63: {  	s13 =	sadd.s32 $0x1, s8  }
0x64: {  	_ =	swait.ge [sflag:s13], $0x320  }
0x65: {  	[sflag:s13] =	ssyncset.done $0x0  }
0x66: {  	s8 =	smul.u32 $0x1900, s8;
	[sflag:s13] =	ssyncadd.s32 $0xFFFFFCE0  }
0x67: {  	_ =	swait.ge [sflag:s13], $0x320  }
0x68: {  	s8 =	sshrl.u32 s8, $0x2;
	[sflag:s13] =	ssyncset.done $0x0  }
0x69: {  	s8 =	sadd.s32 $0x18700, s8;
	[sflag:s13] =	ssyncadd.s32 $0xFFFFFCE0  }
0x6a: {  	[tilespmem:s30], [sflag:$0x4] =	stream.indirect.gather [hbm4b:s4+s29], $0x10, s8, s29, $0xb8;
	[tilespmem:$0x1FDC0] =	vst v63  }
0x6b: {  	_ =	swait.ge [sflag:s1], $0x3200  }
0x6c: {  	[sflag:s1] =	ssyncset.done $0x0  }
.Ltmp2:
0x6d: {  	s5 =	sadd.s32 $0x18A20, s5;
	[sflag:s1] =	ssyncadd.s32 $0xFFFFCE00;
	(pc) =	sbr.rel @p0 .LBB2_4-.Ltmp2, $4  }
0x6e: {  	[spmem:s2] =	stream.indirect.scatter.add.f32 [tilespmem:s31], [sflag:$0x6], $0x10, s5, s29, $0xb8;
	[tilespmem:$0x1FDC0] =	vst v63  }
0x6f: {  	_ =	swait.ge [sflag:s20], $0x3200  }
0x70: {  	[sflag:s20] =	ssyncset.done $0x0  }
0x71: {  	[sflag:s20] =	ssyncadd.s32 $0xFFFFCE00  }
0x72: {  	s5 =	sadd.s32 $0x4, s26  }
0x73: {  	s8 =	smul.u32 $0xAB, s5;
	_ =	sdelay $0x1  }
0x74: {  	s8 =	sshrl.u32 s8, $0x9  }
0x75: {  	s8 =	sand.u32 $0x7F, s8  }
0x76: {  	s8 =	smul.u32 $0x3, s8;
	_ =	sdelay $0x1  }
0x77: {  	s5 =	ssub.s32 s5, s8  }
0x78: {  	s5 =	sand.u32 $0xFF, s5  }
0x79: {  	s13 =	smul.u32 $0x1900, s5;
	_ =	sdelay $0x1  }
0x7a: {  	s10 =	sadd.s32 s23, s17;
	s8 =	sshrl.u32 s13, $0x2  }
.Ltmp3:
0x7b: {  	s5 =	sadd.s32 $0x1, s5;
	s9 =	sadd.s32 $0x18700, s8;
	(pc) =	sbr.rel .LBB2_2-.Ltmp3, $4  }
0x7c: {  	[tilespmem:s9], [sflag:s5] =	stream.linear.gather [hbm4b:s10+s3], $0x320, $0x38;
	[tilespmem:$0x1FDC0] =	vst v63  }
0x7d: {  	s26 =	sadd.s32 s23, s18;
	s8 =	sadd.s32 $0x18A20, s8  }
0x7e: {  	[tilespmem:s8], [sflag:s5] =	stream.linear.gather [hbm4b:s26+s3], $0x320, $0x38;
	[tilespmem:$0x1FDC0] =	vst v63  }
0x7f: {  	s23 =	sadd.s32 $0xC8, s23;
	s26 =	smov.u32 s25  }
.LBB2_5:
0x80: {  	_ =	sfence.sel $0x180000  }
0x81: {  	[bflag:$0x0] =	sbarrier.arrive $0xFFFF  }
0x82: {  	_ =	strace $0x9000004A  }
0x83: {  	s0 =	stileid.u32;
	[bflag:$0x2] =	sbarrier.arrive $0xFFFF  }
0x84: {  	p0 =	sne.s32 s0, $0x0;
	s0 =	rddreg [dreg:$0x2]  }
0x85: {  	s0 =	sadd.s32 @!p0 $0x100000, s0  }
0x86: {  	[sflag:s0] =	ssyncadd.tile.s32 @!p0 $0x1;
	_ =	shalt  }
.Lfunc_end2:
_tile_overlayer_lowered:
.L_overlay_start_2:
0x87: {  	(tag) =	ssettag $0x2  }
0x88: {  	s0 =	rddreg [dreg:$0x0];
	s2 =	stileid.u32  }
0x89: {  	s1 =	rddreg [dreg:$0x1];
	p0 =	sne.s32 s2, $0x0  }
0x8a: {  	s3 =	rddreg [dreg:$0x2];
	[bflag:$0x3] =	sbarrier.arrive $0xFFFF;
	s2 =	simm.s32 @!p0 $0x1C06  }
0x8b: {  	[timem:s3], [sflag:s2] =	dma.local @!p0 [hbm:s0], s1  }
0x8c: {  	s0 =	simm.s32 @!p0 $0x6  }
0x8d: {  	_ =	swait.ge @!p0 [sflag:s0], s1  }
0x8e: {  	s1 =	ssub.s32 @!p0 $0x0, s1;
	[sflag:s0] =	ssyncset.done @!p0 $0x0  }
0x8f: {  	[sflag:s0] =	ssyncadd.s32 @!p0 s1  }
0x90: {  	[bflag:$0x3] =	sbarrier.arrive $0xFFFF  }
0x91: {  	_ =	shalt  }

// kernel: kernel.7.cloned.1.call-start
scs
__scs_entry_jumppad:
0x0: {  	(pc) =	sbr.rel $0x88, $3  }
0x1: {  	(tag) =	ssettag $0x0;
	lr =	simm.s32 $0x1  }
0x2: {  	[smem:$0x3F93] =	sst lr;
	_ =	strace $0xD0000000  }
0x3: {  	_ = 	snop  }
0x4: {  	_ = 	snop  }
0x5: {  	_ = 	snop  }
0x6: {  	_ = 	snop  }
0x7: {  	_ = 	snop  }
__scs_overlays_trampoline_lowered:
0x8: {  	[smem:$0x3FA2] =	sst s0  }
0x9: {  	[smem:$0x3FA3] =	sst s1  }
0xa: {  	[smem:$0x3FA4] =	sst s2  }
0xb: {  	[smem:$0x3FA5] =	sst s3  }
0xc: {  	[smem:$0x3FA6] =	sst s4  }
0xd: {  	[smem:$0x3FA7] =	sst s5  }
0xe: {  	[smem:$0x3FA8] =	sst s6  }
0xf: {  	[smem:$0x3FA9] =	sst s7  }
0x10: {  	[smem:$0x3FAA] =	sst s8  }
0x11: {  	[smem:$0x3FAB] =	sst s9;
	s0 =	simm.s32 @!p0 $0x0  }
0x12: {  	s1 =	sld [smem:$0x3F91];
	s0 =	simm.s32 @p0 $0x1  }
0x13: {  	[smem:$0x3FAC] =	sst s0;
	s0 =	simm.s32 @!p1 $0x0  }
0x14: {  	s2 =	sld [smem:$0x3F90];
	s0 =	simm.s32 @p1 $0x1  }
0x15: {  	[smem:$0x3FAD] =	sst s0;
	s0 =	simm.s32 @!p2 $0x0  }
0x16: {  	s3 =	sld [smem:$0x3FDB];
	s0 =	simm.s32 @p2 $0x1  }
0x17: {  	s4 =	simm.s32 $0x1BF5;
	[smem:$0x3FAF] =	sst s0  }
0x18: {  	s0 =	sld [smem:$0x3F92];
	_ =	swait.ge [sflag:s4], $0x0  }
0x19: {  	s7 =	sld [smem:$0x3F93]  }
0x1a: {  	s8 =	sadd.s32 $0xFFFFE003, lr  }
0x1b: {  	s9 =	sadd.s32 $0xFFFFFEF7, lr;
	s5 =	simm.s32 $0xFFFFFFFF;
	p2 =	slt.u32 s8, $0xFFFFF086  }
0x1c: {  	p1 =	slt.u32 s9, $0xF7A;
	s5 =	simm.s32 @!p2 $0x0  }
0x1d: {  	s5 =	simm.s32 @p1 $0x1;
	p0 =	seq.s32 s7, s2  }
0x1e: {  	s7 =	smul.u32 @!p0 $0xF7A, s2;
	p2 =	seq.s32 @!p0 s5, $0x0  }
0x1f: {  	s9 =	smul.u32 $0xF7A, s1;
	s8 =	simm.s32 @!p0 $0x1BF5;
	p2 =	por !p2, p0  }
0x20: {  	[sflag:s8] =	ssyncset.s32 @!p0 $0xFFFFF086;
	s6 =	sadd.s32 @!p0 s3, s7;
	s7 =	simm.s32 @!p0 $0x108  }
0x21: {  	s3 =	sadd.s32 s3, s9;
	s6 =	sadd.s32 @!p0 $0x88, s6;
	s7 =	simm.s32 @p2 $0x1082  }
0x22: {  	[simem:s7], [sflag:s8] =	dma.local @!p0 [hbm:s6], $0xF7A  }
0x23: {  	s9 =	sor.u32 $0xD0000000, s2;
	s6 =	simm.s32 $0x108;
	_ =	swait.ge @!p0 [sflag:s8], $0x0  }
0x24: {  	s3 =	sadd.s32 $0x88, s3;
	s6 =	simm.s32 @!p1 $0x1082;
	[sflag:s4] =	ssyncset.s32 $0xFFFFF086  }
0x25: {  	[simem:s6], [sflag:s4] =	dma.local [hbm:s3], $0xF7A  }
0x26: {  	[smem:$0x3F93] =	sst s1;
	(tag) =	ssettag s2;
	_ =	strace s9  }
0x27: {  	s1 =	sld [smem:$0x3FA3]  }
0x28: {  	s2 =	sld [smem:$0x3FA4]  }
0x29: {  	s4 =	sld [smem:$0x3FA6]  }
0x2a: {  	p0 =	seq.s32 s5, $0x0;
	s5 =	sld [smem:$0x3FA7]  }
0x2b: {  	s6 =	sld [smem:$0x3FA8]  }
0x2c: {  	s7 =	sld [smem:$0x3FA9]  }
0x2d: {  	s3 =	simm.s32 $0x108;
	s8 =	sld [smem:$0x3FAA]  }
0x2e: {  	s3 =	simm.s32 @!p0 $0x1082;
	s9 =	sld [smem:$0x3FAB]  }
0x2f: {  	lr =	sadd.s32 s0, s3;
	s0 =	sld [smem:$0x3FA2]  }
0x30: {  	s3 =	sld [smem:$0x3FA5]  }
0x31: {  	[smem:$0x3FAE] =	sst s10  }
0x32: {  	s10 =	sld [smem:$0x3FAC];
	_ =	sdelay $0x3  }
0x33: {  	p0 =	seq.s32 s10, $0x1;
	s10 =	sld [smem:$0x3FAE];
	_ =	sdelay $0x3  }
0x34: {  	[smem:$0x3FAE] =	sst s10  }
0x35: {  	s10 =	sld [smem:$0x3FAD];
	_ =	sdelay $0x3  }
0x36: {  	p1 =	seq.s32 s10, $0x1;
	s10 =	sld [smem:$0x3FAE];
	_ =	sdelay $0x3  }
0x37: {  	[smem:$0x3FAE] =	sst s10  }
0x38: {  	s10 =	sld [smem:$0x3FAF]  }
0x39: {  	_ = 	snop;
	(pc) =	sbr.ind lr, $3  }
0x3a: {  	_ = 	snop  }
0x3b: {  	_ = 	snop  }
0x3c: {  	p2 =	seq.s32 s10, $0x1;
	s10 =	sld [smem:$0x3FAE]  }
0x3d: {  	_ =	shalt  }
0x3e: {  	_ =	shalt  }
0x3f: {  	_ =	shalt  }
0x40: {  	_ =	shalt  }
0x41: {  	_ =	shalt  }
0x42: {  	_ =	shalt  }
0x43: {  	_ =	shalt  }
0x44: {  	_ =	shalt  }
0x45: {  	_ =	shalt  }
0x46: {  	_ =	shalt  }
0x47: {  	_ =	shalt  }
0x48: {  	_ =	shalt  }
0x49: {  	_ =	shalt  }
0x4a: {  	_ =	shalt  }
0x4b: {  	_ =	shalt  }
0x4c: {  	_ =	shalt  }
0x4d: {  	_ =	shalt  }
0x4e: {  	_ =	shalt  }
0x4f: {  	_ =	shalt  }
0x50: {  	_ =	shalt  }
0x51: {  	_ =	shalt  }
0x52: {  	_ =	shalt  }
0x53: {  	_ =	shalt  }
0x54: {  	_ =	shalt  }
0x55: {  	_ =	shalt  }
0x56: {  	_ =	shalt  }
0x57: {  	_ =	shalt  }
0x58: {  	_ =	shalt  }
0x59: {  	_ =	shalt  }
0x5a: {  	_ =	shalt  }
0x5b: {  	_ =	shalt  }
0x5c: {  	_ =	shalt  }
0x5d: {  	_ =	shalt  }
0x5e: {  	_ =	shalt  }
0x5f: {  	_ =	shalt  }
0x60: {  	_ =	shalt  }
0x61: {  	_ =	shalt  }
0x62: {  	_ =	shalt  }
0x63: {  	_ =	shalt  }
0x64: {  	_ =	shalt  }
0x65: {  	_ =	shalt  }
0x66: {  	_ =	shalt  }
0x67: {  	_ =	shalt  }
0x68: {  	_ =	shalt  }
0x69: {  	_ =	shalt  }
0x6a: {  	_ =	shalt  }
0x6b: {  	_ =	shalt  }
0x6c: {  	_ =	shalt  }
0x6d: {  	_ =	shalt  }
0x6e: {  	_ =	shalt  }
0x6f: {  	_ =	shalt  }
0x70: {  	_ =	shalt  }
0x71: {  	_ =	shalt  }
0x72: {  	_ =	shalt  }
0x73: {  	_ =	shalt  }
0x74: {  	_ =	shalt  }
0x75: {  	_ =	shalt  }
0x76: {  	_ =	shalt  }
0x77: {  	_ =	shalt  }
0x78: {  	_ =	shalt  }
0x79: {  	_ =	shalt  }
0x7a: {  	_ =	shalt  }
0x7b: {  	_ =	shalt  }
0x7c: {  	_ =	shalt  }
0x7d: {  	_ =	shalt  }
0x7e: {  	_ =	shalt  }
0x7f: {  	_ =	shalt  }
0x80: {  	_ =	shalt  }
0x81: {  	_ =	shalt  }
0x82: {  	_ =	shalt  }
0x83: {  	_ =	shalt  }
0x84: {  	_ =	shalt  }
0x85: {  	_ =	shalt  }
0x86: {  	_ =	shalt  }
0x87: {  	_ =	shalt  }
.Lfunc_end0:
.L_simem_size_0:
called_computation_lowered:
.L_overlay_start_0:
0x88: {  	s2 =	sld [smem:$0x3FD9]  }
0x89: {  	s3 =	sld [smem:$0x3FFE];
	_ =	sdelay $0x1  }
0x8a: {  	s1 =	srdreg.scid  }
0x8b: {  	s0 =	sand.u32 $0x1, s1  }
0x8c: {  	s16 =	sshll.u32 s0, $0xA;
	s2 =	sadd.s32 s3, s2  }
0x8d: {  	s2 =	sadd.s32 s2, s16  }
0x8e: {  	[smem:$0x3FBA] =	sst s2  }
0x8f: {  	_ = 	snop  }
0x90: {  	(tm) =	ssettm $0x1  }
0x91: {  	s17 =	sld [smem:$0x3FFB];
	_ =	sdelay $0x3  }
0x92: {  	_ =	strace s17  }
0x93: {  	s2 =	sld [smem:$0x3FFC];
	_ =	sdelay $0x3  }
0x94: {  	_ =	strace s2  }
0x95: {  	s2 =	sld [smem:$0x3FFD];
	_ =	sdelay $0x3  }
0x96: {  	_ =	strace s2  }
0x97: {  	_ =	strace $0x8FFFFFFF  }
0x98: {  	s18 =	sld [smem:$0x3FDB];
	_ =	sdelay $0x1  }
0x99: {  	s19 =	simm.s32 $_scs_section_size  }
0x9a: {  	s4 =	simm.s32 $_size__tile_overlayer_lowered;
	s5 =	simm.s32 $_tile_overlayer_lowered  }
0x9b: {  	s22 =	simm.s32 $0x1BFF;
	s21 =	sshll.u32 s5, $0x1;
	s2 =	sadd.s32 s19, s18  }
0x9c: {  	s6 =	simm.s32 $0x0;
	s20 =	sshll.u32 s4, $0x1;
	s4 =	sadd.s32 s21, s2  }
0x9d: {  	[timem:s6], [sflag:s22] =	dma.local [hbm:s4], s20  }
0x9e: {  	_ =	swait.ge [sflag:s22], s20  }
0x9f: {  	s3 =	ssub.s32 $0x0, s20;
	[sflag:s22] =	ssyncset.done $0x0  }
0xa0: {  	[sflag:s22] =	ssyncadd.s32 s3;
	_ =	sdelay $0x1  }
0xa1: {  	s23 =	simm.s32 $0x1B8B  }
0xa2: {  	_ =	swait.ge [sflag:s23], $0x1  }
0xa3: {  	[sflag:s23] =	ssyncset.done $0x0  }
0xa4: {  	s25 =	simm.s32 $0x1B8E;
	s24 =	sld [smem:$0x3FFE];
	[sflag:s23] =	ssyncadd.s32 $0xFFFFFFFF  }
0xa5: {  	s26 =	simm.s32 $execute0_lowered;
	[smem:$0x3FD2] =	sst s25  }
0xa6: {  	s4 =	sshll.u32 s26, $0x1;
	_ =	strace $0x80000046;
	[dreg:$0x1] =	wrdreg $0xFFFFFFFF  }
0xa7: {  	s28 =	simm.s32 $_size_execute0_lowered;
	s2 =	sadd.s32 s2, s4;
	[dreg:$0x0] =	wrdreg $0x0  }
0xa8: {  	s4 =	sshll.u32 s28, $0x1;
	[dreg:$0x2] =	wrdreg s2  }
0xa9: {  	[dreg:$0x3] =	wrdreg s4  }
0xaa: {  	[dreg:$0x4] =	wrdreg $0xC0  }
0xab: {  	_ =	task [dreg:s6], $0x5FFFF  }
0xac: {  	[dreg:$0x1] =	wrdreg $0xFFFFFFFF  }
0xad: {  	[dreg:$0x0] =	wrdreg $0x60  }
0xae: {  	[dreg:$0x2] =	wrdreg s24  }
0xaf: {  	[dreg:$0x3] =	wrdreg $0x0  }
0xb0: {  	[dreg:$0x4] =	wrdreg $0x9  }
0xb1: {  	_ =	task.clear_ibuf [dreg:s6], $0x5FFFF;
	_ =	strace $0x90000046  }
0xb2: {  	s29 =	simm.s32 $0x9;
	_ =	strace $0x80000048  }
0xb3: {  	_ =	swait.ge [sflag:s29], $0x1  }
0xb4: {  	[sflag:s29] =	ssyncadd.s32 $0xFFFFFFFF  }
0xb5: {  	_ =	strace $0x90000048  }
0xb6: {  	_ =	sfence  }
0xb7: {  	s30 =	sld [smem:$0x0];
	_ =	sdelay $0x2  }
0xb8: {  	s31 =	sshll.u32 s1, $0xD;
	s1 =	sshrl.u32 s1, $0x2  }
0xb9: {  	s3 =	sand.u32 $0x4000, s31;
	s1 =	sadd.s32 s1, s30  }
0xba: {  	s0 =	sor.u32 s3, s0;
	s1 =	sshll.u32 s1, $0x11  }
0xbb: {  	s0 =	sor.u32 s1, s0  }
0xbc: {  	s0 =	sadd.s32 $0x8F2B, s0  }
0xbd: {  	[sflag:s0] =	ssyncadd.remote.s32 $0x1  }
0xbe: {  	_ =	sfence.sel $0xFFFF  }
0xbf: {  	[dreg:$0x0] =	wrdreg $0xFFFFFFFF;
	(pc) =	sbr.abs _section_cstart, $3  }
0xc0: {  	[dreg:$0x1] =	wrdreg $0xFFFFFFFF  }
0xc1: {  	_ =	task.clear_ibuf [dreg:s6], $0x2FFFF;
	_ =	strace $0x9FFFFFFF  }
0xc2: {  	(tm) =	ssettm $0x7FFFFFFF  }
0xc3: {  	_ =	shalt  }
tec
execute0_lowered:
.L_overlay_start_1:
0x0: {  	(tag) =	ssettag $0x1  }
0x1: {  	s0 =	rddreg [dreg:$0x0]  }
0x2: {  	s2 =	rddreg [dreg:$0x1];
	s3 =	simm.s32 $0x0;
	s11 =	stileid.u32  }
0x3: {  	s4 =	srdreg.scid;
	s28 =	simm.s32 $0x1;
	s29 =	simm.s32 $0x320  }
0x4: {  	s30 =	simm.s32 $0x199C0;
	s31 =	simm.s32 $0x1CBC0;
	[smem:$0x7FF] =	sst s3  }
0x5: {  	s1 =	smul.u32 $0x18700, s11;
	s6 =	sand.u32 $0x1, s4;
	s4 =	sadd.s32 $0x2A00, s0  }
0x6: {  	s18 =	sadd.s32 $0x33800, s0;
	s19 =	sshll.u32 s11, $0x6;
	s13 =	smul.u32 $0x186A0, s11  }
0x7: {  	_ =	strace $0x80000047;
	s7 =	smul.u32 $0x187000, s6;
	s8 =	sshll.u32 s6, $0x4  }
0x8: {  	s9 =	ssub.s32 $0x2, s6;
	s12 =	smul.u32 $0x186A00, s6;
	s5 =	sshrl.u32 s1, $0x3  }
0x9: {  	s8 =	sor.u32 s11, s8;
	s10 =	sshrl.u32 s9, $0x1;
	s5 =	sadd.s32 s5, s0  }
0xa: {  	s7 =	sadd.s32 s1, s7;
	s8 =	smul.u32 $0x186A0, s8;
	s14 =	ssub.s32 s9, s10  }
0xb: {  	s1 =	sadd.s32 s1, s2;
	s16 =	sadd.s32 s13, s12;
	s7 =	sshrl.u32 s7, $0x3  }
0xc: {  	s5 =	sadd.s32 $0xF6E00, s5;
	s25 =	sadd.s32 $0x960, s16;
	s14 =	smax.u32 s14, $0x1  }
0xd: {  	s26 =	sadd.s32 $0xC80, s16;
	s0 =	sadd.s32 s7, s0;
	s17 =	sshrl.u32 s8, $0x3  }
0xe: {  	[dreg:$0x3] =	wrdreg s5;
	s6 =	sadd.s32 s18, s17;
	s0 =	sadd.s32 $0x127C00, s0  }
0xf: {  	s7 =	sor.u32 $0x1C06, s19;
	s20 =	sadd.s32 $0x61A80, s6;
	[dreg:$0x9] =	wrdreg s0  }
0x10: {  	s17 =	sadd.s32 $0x30DD60, s16;
	s21 =	sadd.s32 $0x64, s6;
	[dreg:$0x4] =	wrdreg s20  }
0x11: {  	s16 =	sadd.s32 $0x30E080, s16;
	s22 =	sadd.s32 $0x61AE4, s6;
	[dreg:$0x5] =	wrdreg s21  }
0x12: {  	s23 =	sadd.s32 $0xC8, s6;
	s24 =	sadd.s32 $0x61B48, s6;
	[dreg:$0x6] =	wrdreg s22  }
0x13: {  	s0 =	sshrl.u32 s25, $0x3;
	s17 =	sshrl.u32 s17, $0x3;
	[dreg:$0x7] =	wrdreg s23  }
.Ltmp0:
0x14: {  	s19 =	sshrl.u32 s16, $0x3;
	[dreg:$0x8] =	wrdreg s24;
	(pc) =	sbr.rel .LBB2_1-.Ltmp0, $4  }
0x15: {  	s15 =	sadd.s32 s0, s18;
	s0 =	sshrl.u32 s26, $0x3;
	s16 =	sadd.s32 s17, s18  }
0x16: {  	s20 =	simm.s32 $0x6;
	s21 =	simm.s32 $0x18700;
	s24 =	simm.s32 $0x19060  }
0x17: {  	s22 =	simm.s32 $0x0;
	s17 =	sadd.s32 s0, s18;
	s18 =	sadd.s32 s19, s18  }
0x18: {  	s19 =	sshrl.u32 s1, $0x3;
	s0 =	simm.s32 $0x4;
	s1 =	simm.s32 $0x5  }
.LBB2_4:
0x19: {  	_ =	swait.ge [sflag:s0], $0x3200  }
0x1a: {  	[sflag:s0] =	ssyncset.done $0x0  }
0x1b: {  	[sflag:s0] =	ssyncadd.s32 $0xFFFFCE00  }
0x1c: {  	[spmem:s2] =	stream.indirect.scatter.add.f32 [tilespmem:s30], [sflag:$0x6], $0x10, s24, s29, $0xb8;
	[tilespmem:$0x1FDC0] =	vst v63  }
0x1d: {  	_ =	swait.ge [sflag:s20], $0x3200  }
0x1e: {  	[sflag:s20] =	ssyncset.done $0x0  }
0x1f: {  	s22 =	sadd.s32 $0x1, s22;
	[sflag:s20] =	ssyncadd.s32 $0xFFFFCE00  }
0x20: {  	p0 =	sne.s32 s22, s14;
	[bflag:$0x0] =	sbarrier.arrive $0xFFFF  }
.Ltmp1:
0x21: {  	s5 =	rddreg [dreg:$0x9];
	(pc) =	sbr.rel @!p0 .LBB2_5-.Ltmp1, $4  }
0x22: {  	[hbm:s5], [sflag:s7] =	dma.local [spmem:s19], $0x30E0  }
0x23: {  	_ =	swait.ge [sflag:s20], $0x30E0  }
0x24: {  	[sflag:s20] =	ssyncset.done $0x0  }
0x25: {  	[sflag:s20] =	ssyncadd.s32 $0xFFFFCF20  }
.LBB2_1:
0x26: {  	s5 =	rddreg [dreg:$0x3]  }
0x27: {  	[spmem:s19], [sflag:s7] =	dma.local [hbm:s5], $0x30E0  }
0x28: {  	_ =	swait.ge [sflag:s20], $0x30E0  }
0x29: {  	[sflag:s20] =	ssyncset.done $0x0  }
0x2a: {  	[sflag:s20] =	ssyncadd.s32 $0xFFFFCF20  }
0x2b: {  	[bflag:$0x0] =	sbarrier.arrive $0xFFFF  }
0x2c: {  	[tilespmem:s21], [sflag:$0x1] =	stream.linear.gather [hbm4b:s6+s3], $0x320, $0x38;
	[tilespmem:$0x1FDC0] =	vst v63  }
0x2d: {  	s8 =	simm.s32 $0x18A20;
	s9 =	rddreg [dreg:$0x4]  }
0x2e: {  	[tilespmem:s8], [sflag:$0x1] =	stream.linear.gather [hbm4b:s9+s3], $0x320, $0x38;
	[tilespmem:$0x1FDC0] =	vst v63  }
0x2f: {  	s11 =	simm.s32 $0x18D40;
	s10 =	rddreg [dreg:$0x5]  }
0x30: {  	[tilespmem:s11], [sflag:$0x2] =	stream.linear.gather [hbm4b:s10+s3], $0x320, $0x38;
	[tilespmem:$0x1FDC0] =	vst v63  }
0x31: {  	s12 =	rddreg [dreg:$0x6]  }
0x32: {  	[tilespmem:s24], [sflag:$0x2] =	stream.linear.gather [hbm4b:s12+s3], $0x320, $0x38;
	[tilespmem:$0x1FDC0] =	vst v63  }
0x33: {  	s23 =	simm.s32 $0x19380;
	s13 =	rddreg [dreg:$0x7]  }
0x34: {  	[tilespmem:s23], [sflag:$0x3] =	stream.linear.gather [hbm4b:s13+s3], $0x320, $0x38;
	[tilespmem:$0x1FDC0] =	vst v63  }
0x35: {  	s26 =	simm.s32 $0x196A0;
	s25 =	rddreg [dreg:$0x8]  }
0x36: {  	[tilespmem:s26], [sflag:$0x3] =	stream.linear.gather [hbm4b:s25+s3], $0x320, $0x38;
	[tilespmem:$0x1FDC0] =	vst v63  }
0x37: {  	_ =	swait.ge [sflag:s28], $0x320  }
0x38: {  	[sflag:s28] =	ssyncset.done $0x0  }
0x39: {  	[sflag:s28] =	ssyncadd.s32 $0xFFFFFCE0  }
0x3a: {  	_ =	swait.ge [sflag:s28], $0x320  }
0x3b: {  	[sflag:s28] =	ssyncset.done $0x0  }
0x3c: {  	s23 =	simm.s32 $0x0;
	s26 =	simm.s32 $0x0;
	[sflag:s28] =	ssyncadd.s32 $0xFFFFFCE0  }
0x3d: {  	[tilespmem:s30], [sflag:$0x4] =	stream.indirect.gather [hbm4b:s4+s29], $0x10, s21, s29, $0xb8;
	[tilespmem:$0x1FDC0] =	vst v63  }
.LBB2_2:
0x3e: {  	s25 =	sor.u32 $0x1, s26  }
0x3f: {  	s5 =	sand.u32 $0xFF, s25  }
0x40: {  	s5 =	smul.u32 $0xAB, s5;
	_ =	sdelay $0x1  }
0x41: {  	s5 =	sshrl.u32 s5, $0x9  }
0x42: {  	s5 =	smul.u32 $0x3, s5;
	_ =	sdelay $0x1  }
0x43: {  	s5 =	ssub.s32 s25, s5  }
0x44: {  	s5 =	sand.u32 $0xFF, s5  }
0x45: {  	s9 =	sadd.s32 $0x1, s5  }
0x46: {  	_ =	swait.ge [sflag:s9], $0x320  }
0x47: {  	[sflag:s9] =	ssyncset.done $0x0  }
0x48: {  	s5 =	smul.u32 $0x1900, s5;
	[sflag:s9] =	ssyncadd.s32 $0xFFFFFCE0  }
0x49: {  	s10 =	smul.u32 $0xAB, s26;
	_ =	swait.ge [sflag:s9], $0x320  }
0x4a: {  	s5 =	sshrl.u32 s5, $0x2;
	[sflag:s9] =	ssyncset.done $0x0  }
0x4b: {  	s11 =	sshrl.u32 s10, $0x9;
	s8 =	sadd.s32 $0x18700, s5;
	[sflag:s9] =	ssyncadd.s32 $0xFFFFFCE0  }
0x4c: {  	[tilespmem:s31], [sflag:$0x5] =	stream.indirect.gather [hbm4b:s4+s29], $0x10, s8, s29, $0xb8;
	[tilespmem:$0x1FDC0] =	vst v63  }
0x4d: {  	s8 =	sand.u32 $0x7F, s11  }
0x4e: {  	s8 =	smul.u32 $0x3, s8  }
0x4f: {  	p0 =	seq.s32 s23, $0x2FA8  }
0x50: {  	s25 =	sadd.s32 @!p0 $0x3, s26;
	s8 =	ssub.s32 s26, s8  }
0x51: {  	s9 =	smul.u32 @!p0 $0xAB, s25;
	s8 =	sand.u32 $0xFF, s8  }
0x52: {  	s8 =	smul.u32 $0x1900, s8  }
0x53: {  	_ =	swait.ge [sflag:s0], $0x3200;
	s9 =	sshrl.u32 @!p0 s9, $0x9  }
0x54: {  	[sflag:s0] =	ssyncset.done $0x0;
	s9 =	sand.u32 @!p0 $0x7F, s9;
	s8 =	sshrl.u32 s8, $0x2  }
0x55: {  	[sflag:s0] =	ssyncadd.s32 $0xFFFFCE00;
	s9 =	smul.u32 @!p0 $0x3, s9;
	s8 =	sadd.s32 $0x18A20, s8  }
0x56: {  	[spmem:s2] =	stream.indirect.scatter.add.f32 [tilespmem:s30], [sflag:$0x6], $0x10, s8, s29, $0xb8;
	[tilespmem:$0x1FDC0] =	vst v63  }
0x57: {  	s8 =	ssub.s32 @!p0 s25, s9  }
0x58: {  	s8 =	sand.u32 @!p0 $0xFF, s8  }
0x59: {  	s12 =	sadd.s32 @!p0 s23, s15;
	s25 =	sadd.s32 $0x2, s26;
	s9 =	smul.u32 @!p0 $0x1900, s8  }
0x5a: {  	s13 =	simm.s32 @!p0 $0x0;
	_ =	swait.ge [sflag:s20], $0x3200;
	s11 =	sand.u32 $0xFF, s25  }
0x5b: {  	[sflag:s20] =	ssyncset.done $0x0;
	s8 =	sadd.s32 @!p0 $0x1, s8;
	s9 =	sshrl.u32 @!p0 s9, $0x2  }
0x5c: {  	s11 =	smul.u32 $0xAB, s11;
	[sflag:s20] =	ssyncadd.s32 $0xFFFFCE00;
	s10 =	sadd.s32 @!p0 $0x18700, s9  }
0x5d: {  	[tilespmem:s10], [sflag:s8] =	stream.linear.gather @!p0 [hbm4b:s12+s13], $0x320, $0x38;
	[tilespmem:$0x1FDC0] =	vst v63  }
0x5e: {  	s12 =	sshrl.u32 s11, $0x9  }
0x5f: {  	s9 =	sadd.s32 @!p0 $0x18A20, s9;
	s11 =	sadd.s32 @!p0 s23, s16;
	s10 =	smul.u32 $0x3, s12  }
0x60: {  	[tilespmem:s9], [sflag:s8] =	stream.linear.gather @!p0 [hbm4b:s11+s13], $0x320, $0x38;
	[tilespmem:$0x1FDC0] =	vst v63  }
0x61: {  	s12 =	ssub.s32 s25, s10  }
0x62: {  	s8 =	sand.u32 $0xFF, s12  }
0x63: {  	s13 =	sadd.s32 $0x1, s8  }
0x64: {  	_ =	swait.ge [sflag:s13], $0x320  }
0x65: {  	[sflag:s13] =	ssyncset.done $0x0  }
0x66: {  	s8 =	smul.u32 $0x1900, s8;
	[sflag:s13] =	ssyncadd.s32 $0xFFFFFCE0  }
0x67: {  	_ =	swait.ge [sflag:s13], $0x320  }
0x68: {  	s8 =	sshrl.u32 s8, $0x2;
	[sflag:s13] =	ssyncset.done $0x0  }
0x69: {  	s8 =	sadd.s32 $0x18700, s8;
	[sflag:s13] =	ssyncadd.s32 $0xFFFFFCE0  }
0x6a: {  	[tilespmem:s30], [sflag:$0x4] =	stream.indirect.gather [hbm4b:s4+s29], $0x10, s8, s29, $0xb8;
	[tilespmem:$0x1FDC0] =	vst v63  }
0x6b: {  	_ =	swait.ge [sflag:s1], $0x3200  }
0x6c: {  	[sflag:s1] =	ssyncset.done $0x0  }
.Ltmp2:
0x6d: {  	s5 =	sadd.s32 $0x18A20, s5;
	[sflag:s1] =	ssyncadd.s32 $0xFFFFCE00;
	(pc) =	sbr.rel @p0 .LBB2_4-.Ltmp2, $4  }
0x6e: {  	[spmem:s2] =	stream.indirect.scatter.add.f32 [tilespmem:s31], [sflag:$0x6], $0x10, s5, s29, $0xb8;
	[tilespmem:$0x1FDC0] =	vst v63  }
0x6f: {  	_ =	swait.ge [sflag:s20], $0x3200  }
0x70: {  	[sflag:s20] =	ssyncset.done $0x0  }
0x71: {  	[sflag:s20] =	ssyncadd.s32 $0xFFFFCE00  }
0x72: {  	s5 =	sadd.s32 $0x4, s26  }
0x73: {  	s8 =	smul.u32 $0xAB, s5;
	_ =	sdelay $0x1  }
0x74: {  	s8 =	sshrl.u32 s8, $0x9  }
0x75: {  	s8 =	sand.u32 $0x7F, s8  }
0x76: {  	s8 =	smul.u32 $0x3, s8;
	_ =	sdelay $0x1  }
0x77: {  	s5 =	ssub.s32 s5, s8  }
0x78: {  	s5 =	sand.u32 $0xFF, s5  }
0x79: {  	s13 =	smul.u32 $0x1900, s5;
	_ =	sdelay $0x1  }
0x7a: {  	s10 =	sadd.s32 s23, s17;
	s8 =	sshrl.u32 s13, $0x2  }
.Ltmp3:
0x7b: {  	s5 =	sadd.s32 $0x1, s5;
	s9 =	sadd.s32 $0x18700, s8;
	(pc) =	sbr.rel .LBB2_2-.Ltmp3, $4  }
0x7c: {  	[tilespmem:s9], [sflag:s5] =	stream.linear.gather [hbm4b:s10+s3], $0x320, $0x38;
	[tilespmem:$0x1FDC0] =	vst v63  }
0x7d: {  	s26 =	sadd.s32 s23, s18;
	s8 =	sadd.s32 $0x18A20, s8  }
0x7e: {  	[tilespmem:s8], [sflag:s5] =	stream.linear.gather [hbm4b:s26+s3], $0x320, $0x38;
	[tilespmem:$0x1FDC0] =	vst v63  }
0x7f: {  	s23 =	sadd.s32 $0xC8, s23;
	s26 =	smov.u32 s25  }
.LBB2_5:
0x80: {  	_ =	sfence.sel $0x180000  }
0x81: {  	[bflag:$0x0] =	sbarrier.arrive $0xFFFF  }
0x82: {  	_ =	strace $0x90000047  }
0x83: {  	s0 =	stileid.u32;
	[bflag:$0x2] =	sbarrier.arrive $0xFFFF  }
0x84: {  	p0 =	sne.s32 s0, $0x0;
	s0 =	rddreg [dreg:$0x2]  }
0x85: {  	s0 =	sadd.s32 @!p0 $0x100000, s0  }
0x86: {  	[sflag:s0] =	ssyncadd.tile.s32 @!p0 $0x1;
	_ =	shalt  }
.Lfunc_end2:
_tile_overlayer_lowered:
.L_overlay_start_2:
0x87: {  	(tag) =	ssettag $0x2  }
0x88: {  	s0 =	rddreg [dreg:$0x0];
	s2 =	stileid.u32  }
0x89: {  	s1 =	rddreg [dreg:$0x1];
	p0 =	sne.s32 s2, $0x0  }
0x8a: {  	s3 =	rddreg [dreg:$0x2];
	[bflag:$0x3] =	sbarrier.arrive $0xFFFF;
	s2 =	simm.s32 @!p0 $0x1C06  }
0x8b: {  	[timem:s3], [sflag:s2] =	dma.local @!p0 [hbm:s0], s1  }
0x8c: {  	s0 =	simm.s32 @!p0 $0x6  }
0x8d: {  	_ =	swait.ge @!p0 [sflag:s0], s1  }
0x8e: {  	s1 =	ssub.s32 @!p0 $0x0, s1;
	[sflag:s0] =	ssyncset.done @!p0 $0x0  }
0x8f: {  	[sflag:s0] =	ssyncadd.s32 @!p0 s1  }
0x90: {  	[bflag:$0x3] =	sbarrier.arrive $0xFFFF  }
0x91: {  	_ =	shalt  }

</sc_bundles>
